<compile_context>
chip_gen: v7x
topology: tpu7x:2x2x1
jax: 0.10.2.dev20260603
libtpu: 0.0.44.dev20260713+nightly
codegen_flags: <defaults>
</compile_context>

<pallas_src>
import functools
import numpy as np
import jax
import jax.numpy as jnp
from jax import lax
from jax.experimental import pallas as pl
from jax.experimental.pallas import tpu as pltpu
from jax.experimental.pallas import tpu_sc as plsc

N = 10000
E = 320000
D = 128
AVG_LOG_C = float(np.log(33.0))

NBLK1 = 2000
MBLK = 4000
EBLK = 512
NBLK4 = 400
NWORK = 32
EPW = E // NWORK
EPT = E // 16
CH = 200
ROWS_PT = N // 16
ROWS_ALN = 624
ROWS_TAIL = N - 16 * ROWS_ALN

_PREC = lax.Precision.HIGHEST


def _pre_body(x_ref, wd_ref, ws_ref, b_ref, a_ref, bo_ref):
    xb = x_ref[...]
    a_ref[...] = jnp.dot(xb, wd_ref[...], precision=_PREC,
                         preferred_element_type=jnp.float32) + b_ref[...]
    bo_ref[...] = jnp.dot(xb, ws_ref[...], precision=_PREC,
                          preferred_element_type=jnp.float32)


def _pre_call(x, wd, ws, b):
    return pl.pallas_call(
        _pre_body,
        grid=(N // NBLK1,),
        in_specs=[
            pl.BlockSpec((NBLK1, D), lambda i: (i, 0)),
            pl.BlockSpec((D, D), lambda i: (0, 0)),
            pl.BlockSpec((D, D), lambda i: (0, 0)),
            pl.BlockSpec((1, D), lambda i: (0, 0)),
        ],
        out_specs=[
            pl.BlockSpec((NBLK1, D), lambda i: (i, 0)),
            pl.BlockSpec((NBLK1, D), lambda i: (i, 0)),
        ],
        out_shape=[jax.ShapeDtypeStruct((N, D), jnp.float32)] * 2,
    )(x, wd, ws, b)


def _sc_gather_body(a_hbm, b_hbm, dst_hbm, src_hbm, oa_hbm, ob_hbm,
                    dst_v, src_v, bufa, bufb, sema, semb):
    wid = lax.axis_index("s") * 2 + lax.axis_index("c")
    base = wid * EPW
    pltpu.sync_copy(dst_hbm.at[pl.ds(base, EPW)], dst_v)
    pltpu.sync_copy(src_hbm.at[pl.ds(base, EPW)], src_v)

    def chunk(ci, carry):
        off = ci * CH
        ca = pltpu.async_copy(a_hbm.at[dst_v.at[pl.ds(off, CH)]], bufa, sema)
        cb = pltpu.async_copy(b_hbm.at[src_v.at[pl.ds(off, CH)]], bufb, semb)
        ca.wait()
        cb.wait()
        pltpu.sync_copy(bufa, oa_hbm.at[pl.ds(base + off, CH)])
        pltpu.sync_copy(bufb, ob_hbm.at[pl.ds(base + off, CH)])
        return carry

    lax.fori_loop(0, EPW // CH, chunk, 0)


_sc_gather = functools.partial(
    pl.kernel,
    mesh=plsc.VectorSubcoreMesh(core_axis_name="c", subcore_axis_name="s"),
    out_type=[jax.ShapeDtypeStruct((E, D), jnp.float32)] * 2,
    scratch_types=[
        pltpu.VMEM((EPW,), jnp.int32),
        pltpu.VMEM((EPW,), jnp.int32),
        pltpu.VMEM((CH, D), jnp.float32),
        pltpu.VMEM((CH, D), jnp.float32),
        pltpu.SemaphoreType.DMA,
        pltpu.SemaphoreType.DMA,
    ],
)(_sc_gather_body)


def _msg_body(ga_ref, gb_ref, m_ref, m2_ref):
    m = ga_ref[...] + gb_ref[...]
    m_ref[...] = m
    m2_ref[...] = m * m


def _msg_call(ga, gb):
    blk = pl.BlockSpec((MBLK, D), lambda i: (i, 0))
    return pl.pallas_call(
        _msg_body,
        grid=(E // MBLK,),
        in_specs=[blk, blk],
        out_specs=[blk, blk],
        out_shape=[jax.ShapeDtypeStruct((E, D), jnp.float32)] * 2,
    )(ga, gb)


def _sc_scatter_body(m_hbm, m2_hbm, dst_hbm, z128_hbm,
                     s_out, ss_out,
                     idx_v, buf, acc_sh):
    cid = lax.axis_index("c")
    sid = lax.axis_index("s")

    @pl.when(sid == 0)
    def _init():
        pltpu.sync_copy(z128_hbm, acc_sh)

    plsc.subcore_barrier()

    base = sid * EPT

    def chunk(ci, carry):
        off = base + ci * CH
        pltpu.sync_copy(dst_hbm.at[pl.ds(off, CH)], idx_v)

        @pl.when(cid == 0)
        def _c0():
            pltpu.sync_copy(m_hbm.at[pl.ds(off, CH)], buf)
            pltpu.sync_copy(buf, acc_sh.at[idx_v], add=True)

        @pl.when(cid == 1)
        def _c1():
            pltpu.sync_copy(m2_hbm.at[pl.ds(off, CH)], buf)
            pltpu.sync_copy(buf, acc_sh.at[idx_v], add=True)

        return carry

    lax.fori_loop(0, EPT // CH, chunk, 0)
    plsc.subcore_barrier()

    rbase = sid * ROWS_ALN

    @pl.when(cid == 0)
    def _out0():
        pltpu.sync_copy(acc_sh.at[pl.ds(rbase, ROWS_ALN)],
                        s_out.at[pl.ds(rbase, ROWS_ALN)])

        @pl.when(sid == 15)
        def _tail0():
            pltpu.sync_copy(acc_sh.at[pl.ds(16 * ROWS_ALN, ROWS_TAIL)],
                            s_out.at[pl.ds(16 * ROWS_ALN, ROWS_TAIL)])

    @pl.when(cid == 1)
    def _out1():
        pltpu.sync_copy(acc_sh.at[pl.ds(rbase, ROWS_ALN)],
                        ss_out.at[pl.ds(rbase, ROWS_ALN)])

        @pl.when(sid == 15)
        def _tail1():
            pltpu.sync_copy(acc_sh.at[pl.ds(16 * ROWS_ALN, ROWS_TAIL)],
                            ss_out.at[pl.ds(16 * ROWS_ALN, ROWS_TAIL)])


_sc_scatter = functools.partial(
    pl.kernel,
    mesh=plsc.VectorSubcoreMesh(core_axis_name="c", subcore_axis_name="s"),
    out_type=[
        jax.ShapeDtypeStruct((N, D), jnp.float32),
        jax.ShapeDtypeStruct((N, D), jnp.float32),
    ],
    scratch_types=[
        pltpu.VMEM((CH,), jnp.int32),
        pltpu.VMEM((CH, D), jnp.float32),
        pltpu.MemorySpace.VMEM_SHARED((N, D), jnp.float32),
    ],
)(_sc_scatter_body)


def _seg_body(dst_ref, m_ref, mn_ref, mx_ref, cnt_ref):
    @pl.when(pl.program_id(0) == 0)
    def _init():
        mn_ref[...] = jnp.full((N, D), 3.4e38, jnp.float32)
        mx_ref[...] = jnp.full((N, D), -3.4e38, jnp.float32)
        cnt_ref[...] = jnp.zeros((N, D), jnp.float32)

    def body(e, carry):
        d = dst_ref[e]
        m = m_ref[pl.ds(e, 1), :]
        rs = pl.ds(d, 1)
        mn_ref[rs, :] = jnp.minimum(mn_ref[rs, :], m)
        mx_ref[rs, :] = jnp.maximum(mx_ref[rs, :], m)
        cnt_ref[rs, :] = cnt_ref[rs, :] + 1.0
        return carry

    lax.fori_loop(0, EBLK, body, 0, unroll=8)


def _seg_call(dst, m):
    return pl.pallas_call(
        _seg_body,
        grid=(E // EBLK,),
        in_specs=[
            pl.BlockSpec((EBLK,), lambda i: (i,), memory_space=pltpu.SMEM),
            pl.BlockSpec((EBLK, D), lambda i: (i, 0)),
        ],
        out_specs=[pl.BlockSpec((N, D), lambda i: (0, 0))] * 3,
        out_shape=[jax.ShapeDtypeStruct((N, D), jnp.float32)] * 3,
    )(dst, m)


def _post_body(x_ref, s_ref, ss_ref, mn_ref, mx_ref, cnt_ref,
               wp_ref, bp_ref, wl_ref, bl_ref, o_ref):
    xb = x_ref[...]
    c = cnt_ref[...][:, :1]
    denom = jnp.maximum(c, 1.0)
    mean = s_ref[...] / denom
    msq = ss_ref[...] / denom
    var = msq - mean * mean
    std = jnp.sqrt(jnp.maximum(var, 0.0) + 1e-5)
    has = c > 0.0
    mn = jnp.where(has, mn_ref[...], 0.0)
    mx = jnp.where(has, mx_ref[...], 0.0)
    agg = jnp.concatenate([mean, mn, mx, std], axis=1)
    lg = jnp.log(denom + 1.0)
    amp = agg * (lg / AVG_LOG_C)
    att = agg * (AVG_LOG_C / lg)
    full = jnp.concatenate([xb, agg, amp, att], axis=1)
    out = jnp.dot(full, wp_ref[...], precision=_PREC,
                  preferred_element_type=jnp.float32) + bp_ref[...]
    out = jnp.dot(out, wl_ref[...], precision=_PREC,
                  preferred_element_type=jnp.float32) + bl_ref[...]
    o_ref[...] = xb + out


def _post_call(x, s, ss, mn, mx, cnt, wp, bp, wl, bl):
    nd = pl.BlockSpec((NBLK4, D), lambda i: (i, 0))
    return pl.pallas_call(
        _post_body,
        grid=(N // NBLK4,),
        in_specs=[
            nd, nd, nd, nd, nd,
            nd,
            pl.BlockSpec((13 * D, D), lambda i: (0, 0)),
            pl.BlockSpec((1, D), lambda i: (0, 0)),
            pl.BlockSpec((D, D), lambda i: (0, 0)),
            pl.BlockSpec((1, D), lambda i: (0, 0)),
        ],
        out_specs=pl.BlockSpec((NBLK4, D), lambda i: (i, 0)),
        out_shape=jax.ShapeDtypeStruct((N, D), jnp.float32),
    )(x, s, ss, mn, mx, cnt, wp, bp, wl, bl)


def kernel(x, edge_index, W_pre, b_pre, W_post, b_post, W_lin, b_lin):
    src = edge_index[0]
    dst = edge_index[1]
    a, b = _pre_call(x, W_pre[:D], W_pre[D:], b_pre.reshape(1, D))
    ga, gb = _sc_gather(a, b, dst, src)
    m, m2 = _msg_call(ga, gb)
    z128 = jnp.zeros((N, D), jnp.float32)
    s, ss = _sc_scatter(m, m2, dst, z128)
    mn, mx, cnt = _seg_call(dst, m)
    return _post_call(x, s, ss, mn, mx, cnt, W_post, b_post.reshape(1, D),
                      W_lin, b_lin.reshape(1, D))

# --- scband reference (transcript-rebuilt; emitter-appended) ---
"""Pipeline reference for scband-pnaconv-sc-38319698215462 (READ-ONLY COPY).

The authoritative reference and input builder live on the scoring server;
editing this copy changes nothing except your own understanding.
"""

import jax, jax.numpy as jnp
import numpy as np

N = 10000
E = 320000
D = 128
AVG_LOG = float(np.log(33.0))  # from deg histogram: all 10000 nodes have degree 32 -> mean of log(deg+1) = log(33)


def setup_inputs(seed: int = 0) -> dict:
    key = jax.random.key(seed)
    ks = jax.random.split(key, 8)
    x = jax.random.normal(ks[0], (N, D), dtype=jnp.float32)
    edge_index = jax.random.randint(ks[1], (2, E), 0, N, dtype=jnp.int32)
    # PNAConv params (towers=1, pre_layers=1, post_layers=1, no edge_attr):
    # pre_nn: Linear(2*D -> D); post_nn: Linear((4*3+1)*D -> D); lin: Linear(D -> D)
    W_pre = jax.random.normal(ks[2], (2 * D, D), dtype=jnp.float32) * (1.0 / np.sqrt(2 * D))
    b_pre = jnp.zeros((D,), dtype=jnp.float32)
    W_post = jax.random.normal(ks[3], (13 * D, D), dtype=jnp.float32) * (1.0 / np.sqrt(13 * D))
    b_post = jnp.zeros((D,), dtype=jnp.float32)
    W_lin = jax.random.normal(ks[4], (D, D), dtype=jnp.float32) * (1.0 / np.sqrt(D))
    b_lin = jnp.zeros((D,), dtype=jnp.float32)
    return {"x": x, "edge_index": edge_index, "W_pre": W_pre, "b_pre": b_pre,
            "W_post": W_post, "b_post": b_post, "W_lin": W_lin, "b_lin": b_lin}


def reference(x, edge_index, W_pre, b_pre, W_post, b_post, W_lin, b_lin):
    src = edge_index[0]  # x_j
    dst = edge_index[1]  # x_i, aggregation index
    n = x.shape[0]
    # message: pre_nn(cat([x_i, x_j]))
    h = jnp.concatenate([x[dst], x[src]], axis=-1)
    m = h @ W_pre + b_pre  # [E, D]
    ones = jnp.ones((m.shape[0],), dtype=m.dtype)
    cnt = jax.ops.segment_sum(ones, dst, num_segments=n)  # in-degree of dst
    s = jax.ops.segment_sum(m, dst, num_segments=n)
    denom = jnp.maximum(cnt, 1.0)[:, None]
    mean = s / denom
    mn = jax.ops.segment_min(m, dst, num_segments=n)
    mx = jax.ops.segment_max(m, dst, num_segments=n)
    has = (cnt > 0)[:, None]
    mn = jnp.where(has, mn, 0.0)
    mx = jnp.where(has, mx, 0.0)
    mean_sq = jax.ops.segment_sum(m * m, dst, num_segments=n) / denom
    var = mean_sq - mean * mean
    std = jnp.sqrt(jax.nn.relu(var) + 1e-5)
    agg = jnp.concatenate([mean, mn, mx, std], axis=-1)  # [N, 4*D]
    deg = jnp.maximum(cnt, 1.0)[:, None]
    amp = agg * (jnp.log(deg + 1.0) / AVG_LOG)
    att = agg * (AVG_LOG / jnp.log(deg + 1.0))
    out = jnp.concatenate([agg, amp, att], axis=-1)  # [N, 12*D]
    out = jnp.concatenate([x, out], axis=-1)  # [N, 13*D]
    out = out @ W_post + b_post
    out = out @ W_lin + b_lin
    return x + out  # residual from PNAConvSC

if __name__ == "__main__":
    import jax
    _d = setup_inputs()
    print(jax.jit(kernel)(*tuple(_d.values())))

</pallas_src>

<mosaic_0001>
#map = affine_map<(d0, d1) -> (0, 0)>
#map1 = affine_map<(d0, d1) -> (0)>
module attributes {stable_mosaic.version = 14 : i64} {
  func.func @_sc_gather_body(%arg0: i32, %arg1: i32, %arg2: memref<10000x128xf32, #tpu.memory_space<hbm>>, %arg3: memref<10000x128xf32, #tpu.memory_space<hbm>>, %arg4: memref<320000xi32, #tpu.memory_space<hbm>>, %arg5: memref<320000xi32, #tpu.memory_space<hbm>>, %arg6: memref<320000x128xf32, #tpu.memory_space<hbm>>, %arg7: memref<320000x128xf32, #tpu.memory_space<hbm>>, %arg8: memref<10000xi32, #tpu.memory_space<vmem>>, %arg9: memref<10000xi32, #tpu.memory_space<vmem>>, %arg10: memref<200x128xf32, #tpu.memory_space<vmem>>, %arg11: memref<200x128xf32, #tpu.memory_space<vmem>>, %arg12: memref<!tpu.dma_semaphore, #tpu.memory_space<semaphore_mem>>, %arg13: memref<!tpu.dma_semaphore, #tpu.memory_space<semaphore_mem>>) attributes {dimension_semantics = [#tpu.dimension_semantics<core_parallel>, #tpu.dimension_semantics<subcore_parallel>], iteration_bounds = array<i64: 2, 16>, scalar_prefetch = 0 : i64, scratch_operands = 6 : i64, tpu.core_type = #tpu.core_type<sc_vector_subcore>, window_params = [{transform_indices = #map}, {transform_indices = #map}, {transform_indices = #map1}, {transform_indices = #map1}, {transform_indices = #map}, {transform_indices = #map}]} {
    %mul3A = arith.constant 2 : i32
    %mul3A_0 = arith.muli %arg1, %mul3A : i32
    %add3A = arith.addi %mul3A_0, %arg0 : i32
    %mul3A_1 = arith.constant 10000 : i32
    %mul3A_2 = arith.muli %add3A, %mul3A_1 : i32
    "tpu.region"() ({
      %run_scoped3A = tpu.sem_alloc : memref<!tpu.dma_semaphore, #tpu.memory_space<semaphore_mem>>
      %dma_start3A = tpu.memref_slice %arg4[%mul3A_2] : memref<320000xi32, #tpu.memory_space<hbm>> -> memref<10000xi32, #tpu.memory_space<hbm>>
      %dma_start3A_8 = tpu.memref_slice %arg4[%mul3A_2] : memref<320000xi32, #tpu.memory_space<hbm>> -> memref<10000xi32, #tpu.memory_space<hbm>>
      tpu.enqueue_dma source(%dma_start3A_8 : memref<10000xi32, #tpu.memory_space<hbm>>) target(%arg8 : memref<10000xi32, #tpu.memory_space<vmem>>) target_semaphore(%run_scoped3A : memref<!tpu.dma_semaphore, #tpu.memory_space<semaphore_mem>>)
      %dma_wait3A = tpu.memref_slice %arg4[%mul3A_2] : memref<320000xi32, #tpu.memory_space<hbm>> -> memref<10000xi32, #tpu.memory_space<hbm>>
      %dma_wait3A_9 = tpu.memref_slice %arg4[%mul3A_2] : memref<320000xi32, #tpu.memory_space<hbm>> -> memref<10000xi32, #tpu.memory_space<hbm>>
      tpu.wait_dma2 semaphore(%run_scoped3A : memref<!tpu.dma_semaphore, #tpu.memory_space<semaphore_mem>>) src(%dma_wait3A_9 : memref<10000xi32, #tpu.memory_space<hbm>>) dst(%arg8 : memref<10000xi32, #tpu.memory_space<vmem>>)
      tpu.yield
    }) : () -> ()
    "tpu.region"() ({
      %run_scoped3A = tpu.sem_alloc : memref<!tpu.dma_semaphore, #tpu.memory_space<semaphore_mem>>
      %dma_start3A = tpu.memref_slice %arg5[%mul3A_2] : memref<320000xi32, #tpu.memory_space<hbm>> -> memref<10000xi32, #tpu.memory_space<hbm>>
      %dma_start3A_8 = tpu.memref_slice %arg5[%mul3A_2] : memref<320000xi32, #tpu.memory_space<hbm>> -> memref<10000xi32, #tpu.memory_space<hbm>>
      tpu.enqueue_dma source(%dma_start3A_8 : memref<10000xi32, #tpu.memory_space<hbm>>) target(%arg9 : memref<10000xi32, #tpu.memory_space<vmem>>) target_semaphore(%run_scoped3A : memref<!tpu.dma_semaphore, #tpu.memory_space<semaphore_mem>>)
      %dma_wait3A = tpu.memref_slice %arg5[%mul3A_2] : memref<320000xi32, #tpu.memory_space<hbm>> -> memref<10000xi32, #tpu.memory_space<hbm>>
      %dma_wait3A_9 = tpu.memref_slice %arg5[%mul3A_2] : memref<320000xi32, #tpu.memory_space<hbm>> -> memref<10000xi32, #tpu.memory_space<hbm>>
      tpu.wait_dma2 semaphore(%run_scoped3A : memref<!tpu.dma_semaphore, #tpu.memory_space<semaphore_mem>>) src(%dma_wait3A_9 : memref<10000xi32, #tpu.memory_space<hbm>>) dst(%arg9 : memref<10000xi32, #tpu.memory_space<vmem>>)
      tpu.yield
    }) : () -> ()
    %scan3A = arith.constant 0 : i32
    %scan3A_3 = arith.constant 0 : i32
    %scan3A_4 = arith.constant 50 : i32
    %scan3A_5 = arith.addi %scan3A_3, %scan3A_4 : i32
    %scan3A_6 = arith.constant 1 : i32
    scf.for %scan3A_8 = %scan3A_3 to %scan3A_5 step %scan3A_6  : i32 {
      %mul3A_9 = arith.constant 200 : i32
      %mul3A_10 = arith.muli %scan3A_8, %mul3A_9 : i32
      %dma_start3A = tpu.memref_slice %arg8[%mul3A_10] : memref<10000xi32, #tpu.memory_space<vmem>> -> memref<200xi32, #tpu.memory_space<vmem>>
      %dma_start3A_11 = arith.constant 0 : i32
      %dma_start3A_12 = arith.constant 0 : i32
      %dma_start3A_13 = tpu.memref_slice %arg2[%dma_start3A_11, %dma_start3A_12] : memref<10000x128xf32, #tpu.memory_space<hbm>> -> memref<10000x128xf32, #tpu.memory_space<hbm>>
      tpu.enqueue_indirect_dma source(%dma_start3A_13 : memref<10000x128xf32, #tpu.memory_space<hbm>>) target(%arg10 : memref<200x128xf32, #tpu.memory_space<vmem>>) offsets(%dma_start3A : memref<200xi32, #tpu.memory_space<vmem>>) semaphore(%arg12 : memref<!tpu.dma_semaphore, #tpu.memory_space<semaphore_mem>>)
      %dma_start3A_14 = tpu.memref_slice %arg9[%mul3A_10] : memref<10000xi32, #tpu.memory_space<vmem>> -> memref<200xi32, #tpu.memory_space<vmem>>
      %dma_start3A_15 = arith.constant 0 : i32
      %dma_start3A_16 = arith.constant 0 : i32
      %dma_start3A_17 = tpu.memref_slice %arg3[%dma_start3A_15, %dma_start3A_16] : memref<10000x128xf32, #tpu.memory_space<hbm>> -> memref<10000x128xf32, #tpu.memory_space<hbm>>
      tpu.enqueue_indirect_dma source(%dma_start3A_17 : memref<10000x128xf32, #tpu.memory_space<hbm>>) target(%arg11 : memref<200x128xf32, #tpu.memory_space<vmem>>) offsets(%dma_start3A_14 : memref<200xi32, #tpu.memory_space<vmem>>) semaphore(%arg13 : memref<!tpu.dma_semaphore, #tpu.memory_space<semaphore_mem>>)
      %dma_wait3A = tpu.memref_slice %arg8[%mul3A_10] : memref<10000xi32, #tpu.memory_space<vmem>> -> memref<200xi32, #tpu.memory_space<vmem>>
      %dma_wait3A_18 = arith.constant 0 : i32
      %dma_wait3A_19 = arith.constant 0 : i32
      %dma_wait3A_20 = tpu.memref_slice %arg2[%dma_wait3A_18, %dma_wait3A_19] : memref<10000x128xf32, #tpu.memory_space<hbm>> -> memref<10000x128xf32, #tpu.memory_space<hbm>>
      tpu.wait_indirect_dma semaphore(%arg12 : memref<!tpu.dma_semaphore, #tpu.memory_space<semaphore_mem>>) src(%dma_wait3A_20 : memref<10000x128xf32, #tpu.memory_space<hbm>>) dst(%arg10 : memref<200x128xf32, #tpu.memory_space<vmem>>)
      %dma_wait3A_21 = tpu.memref_slice %arg9[%mul3A_10] : memref<10000xi32, #tpu.memory_space<vmem>> -> memref<200xi32, #tpu.memory_space<vmem>>
      %dma_wait3A_22 = arith.constant 0 : i32
      %dma_wait3A_23 = arith.constant 0 : i32
      %dma_wait3A_24 = tpu.memref_slice %arg3[%dma_wait3A_22, %dma_wait3A_23] : memref<10000x128xf32, #tpu.memory_space<hbm>> -> memref<10000x128xf32, #tpu.memory_space<hbm>>
      tpu.wait_indirect_dma semaphore(%arg13 : memref<!tpu.dma_semaphore, #tpu.memory_space<semaphore_mem>>) src(%dma_wait3A_24 : memref<10000x128xf32, #tpu.memory_space<hbm>>) dst(%arg11 : memref<200x128xf32, #tpu.memory_space<vmem>>)
      %add3A_25 = arith.addi %mul3A_2, %mul3A_10 : i32
      "tpu.region"() ({
        %run_scoped3A = tpu.sem_alloc : memref<!tpu.dma_semaphore, #tpu.memory_space<semaphore_mem>>
        %dma_start3A_27 = arith.constant 0 : i32
        %dma_start3A_28 = tpu.memref_slice %arg6[%add3A_25, %dma_start3A_27] : memref<320000x128xf32, #tpu.memory_space<hbm>> -> memref<200x128xf32, #tpu.memory_space<hbm>>
        %dma_start3A_29 = arith.constant 0 : i32
        %dma_start3A_30 = tpu.memref_slice %arg6[%add3A_25, %dma_start3A_29] : memref<320000x128xf32, #tpu.memory_space<hbm>> -> memref<200x128xf32, #tpu.memory_space<hbm>>
        tpu.enqueue_dma source(%arg10 : memref<200x128xf32, #tpu.memory_space<vmem>>) target(%dma_start3A_30 : memref<200x128xf32, #tpu.memory_space<hbm>>) target_semaphore(%run_scoped3A : memref<!tpu.dma_semaphore, #tpu.memory_space<semaphore_mem>>)
        %dma_wait3A_31 = arith.constant 0 : i32
        %dma_wait3A_32 = tpu.memref_slice %arg6[%add3A_25, %dma_wait3A_31] : memref<320000x128xf32, #tpu.memory_space<hbm>> -> memref<200x128xf32, #tpu.memory_space<hbm>>
        %dma_wait3A_33 = arith.constant 0 : i32
        %dma_wait3A_34 = tpu.memref_slice %arg6[%add3A_25, %dma_wait3A_33] : memref<320000x128xf32, #tpu.memory_space<hbm>> -> memref<200x128xf32, #tpu.memory_space<hbm>>
        tpu.wait_dma2 semaphore(%run_scoped3A : memref<!tpu.dma_semaphore, #tpu.memory_space<semaphore_mem>>) src(%arg10 : memref<200x128xf32, #tpu.memory_space<vmem>>) dst(%dma_wait3A_34 : memref<200x128xf32, #tpu.memory_space<hbm>>)
        tpu.yield
      }) : () -> ()
      %add3A_26 = arith.addi %mul3A_2, %mul3A_10 : i32
      "tpu.region"() ({
        %run_scoped3A = tpu.sem_alloc : memref<!tpu.dma_semaphore, #tpu.memory_space<semaphore_mem>>
        %dma_start3A_27 = arith.constant 0 : i32
        %dma_start3A_28 = tpu.memref_slice %arg7[%add3A_26, %dma_start3A_27] : memref<320000x128xf32, #tpu.memory_space<hbm>> -> memref<200x128xf32, #tpu.memory_space<hbm>>
        %dma_start3A_29 = arith.constant 0 : i32
        %dma_start3A_30 = tpu.memref_slice %arg7[%add3A_26, %dma_start3A_29] : memref<320000x128xf32, #tpu.memory_space<hbm>> -> memref<200x128xf32, #tpu.memory_space<hbm>>
        tpu.enqueue_dma source(%arg11 : memref<200x128xf32, #tpu.memory_space<vmem>>) target(%dma_start3A_30 : memref<200x128xf32, #tpu.memory_space<hbm>>) target_semaphore(%run_scoped3A : memref<!tpu.dma_semaphore, #tpu.memory_space<semaphore_mem>>)
        %dma_wait3A_31 = arith.constant 0 : i32
        %dma_wait3A_32 = tpu.memref_slice %arg7[%add3A_26, %dma_wait3A_31] : memref<320000x128xf32, #tpu.memory_space<hbm>> -> memref<200x128xf32, #tpu.memory_space<hbm>>
        %dma_wait3A_33 = arith.constant 0 : i32
        %dma_wait3A_34 = tpu.memref_slice %arg7[%add3A_26, %dma_wait3A_33] : memref<320000x128xf32, #tpu.memory_space<hbm>> -> memref<200x128xf32, #tpu.memory_space<hbm>>
        tpu.wait_dma2 semaphore(%run_scoped3A : memref<!tpu.dma_semaphore, #tpu.memory_space<semaphore_mem>>) src(%arg11 : memref<200x128xf32, #tpu.memory_space<vmem>>) dst(%dma_wait3A_34 : memref<200x128xf32, #tpu.memory_space<hbm>>)
        tpu.yield
      }) : () -> ()
    }
    %scan3A_7 = arith.constant 50 : i32
    return
  }
}

#map = affine_map<(d0, d1) -> (0, 0)>
#map1 = affine_map<(d0, d1) -> (0)>
module attributes {stable_mosaic.version = 14 : i64} {
  func.func @_sc_scatter_body(%arg0: i32, %arg1: i32, %arg2: memref<320000x128xf32, #tpu.memory_space<hbm>>, %arg3: memref<320000x128xf32, #tpu.memory_space<hbm>>, %arg4: memref<320000xi32, #tpu.memory_space<hbm>>, %arg5: memref<10000x128xf32, #tpu.memory_space<hbm>>, %arg6: memref<10000x128xf32, #tpu.memory_space<hbm>>, %arg7: memref<10000x128xf32, #tpu.memory_space<hbm>>, %arg8: memref<200xi32, #tpu.memory_space<vmem>>, %arg9: memref<200x128xf32, #tpu.memory_space<vmem>>, %arg10: memref<10000x128xf32, #tpu.memory_space<vmem_shared>>) attributes {dimension_semantics = [#tpu.dimension_semantics<core_parallel>, #tpu.dimension_semantics<subcore_parallel>], iteration_bounds = array<i64: 2, 16>, scalar_prefetch = 0 : i64, scratch_operands = 3 : i64, tpu.core_type = #tpu.core_type<sc_vector_subcore>, window_params = [{transform_indices = #map}, {transform_indices = #map}, {transform_indices = #map1}, {transform_indices = #map}, {transform_indices = #map}, {transform_indices = #map}]} {
    %eq3A = arith.constant 0 : i32
    %eq3A_0 = arith.cmpi eq, %arg1, %eq3A : i32
    %convert_element_type3A = arith.extui %eq3A_0 : i1 to i32
    %cond3A = arith.constant 0 : i32
    %cond3A_1 = arith.cmpi ne, %convert_element_type3A, %cond3A : i32
    scf.if %cond3A_1 {
      "tpu.region"() ({
        %run_scoped3A = tpu.sem_alloc : memref<!tpu.dma_semaphore, #tpu.memory_space<semaphore_mem>>
        tpu.enqueue_dma source(%arg5 : memref<10000x128xf32, #tpu.memory_space<hbm>>) target(%arg10 : memref<10000x128xf32, #tpu.memory_space<vmem_shared>>) target_semaphore(%run_scoped3A : memref<!tpu.dma_semaphore, #tpu.memory_space<semaphore_mem>>)
        tpu.wait_dma2 semaphore(%run_scoped3A : memref<!tpu.dma_semaphore, #tpu.memory_space<semaphore_mem>>) src(%arg5 : memref<10000x128xf32, #tpu.memory_space<hbm>>) dst(%arg10 : memref<10000x128xf32, #tpu.memory_space<vmem_shared>>)
        tpu.yield
      }) : () -> ()
    } else {
    }
    %barrier3A = arith.constant 0 : index
    tpu.barrier barrier_id(%barrier3A)
    %mul3A = arith.constant 20000 : i32
    %mul3A_2 = arith.muli %arg1, %mul3A : i32
    %scan3A = arith.constant 0 : i32
    %scan3A_3 = arith.constant 0 : i32
    %scan3A_4 = arith.constant 100 : i32
    %scan3A_5 = arith.addi %scan3A_3, %scan3A_4 : i32
    %scan3A_6 = arith.constant 1 : i32
    scf.for %scan3A_21 = %scan3A_3 to %scan3A_5 step %scan3A_6  : i32 {
      %mul3A_22 = arith.constant 200 : i32
      %mul3A_23 = arith.muli %scan3A_21, %mul3A_22 : i32
      %add3A = arith.addi %mul3A_2, %mul3A_23 : i32
      "tpu.region"() ({
        %run_scoped3A = tpu.sem_alloc : memref<!tpu.dma_semaphore, #tpu.memory_space<semaphore_mem>>
        %dma_start3A = tpu.memref_slice %arg4[%add3A] : memref<320000xi32, #tpu.memory_space<hbm>> -> memref<200xi32, #tpu.memory_space<hbm>>
        %dma_start3A_34 = tpu.memref_slice %arg4[%add3A] : memref<320000xi32, #tpu.memory_space<hbm>> -> memref<200xi32, #tpu.memory_space<hbm>>
        tpu.enqueue_dma source(%dma_start3A_34 : memref<200xi32, #tpu.memory_space<hbm>>) target(%arg8 : memref<200xi32, #tpu.memory_space<vmem>>) target_semaphore(%run_scoped3A : memref<!tpu.dma_semaphore, #tpu.memory_space<semaphore_mem>>)
        %dma_wait3A = tpu.memref_slice %arg4[%add3A] : memref<320000xi32, #tpu.memory_space<hbm>> -> memref<200xi32, #tpu.memory_space<hbm>>
        %dma_wait3A_35 = tpu.memref_slice %arg4[%add3A] : memref<320000xi32, #tpu.memory_space<hbm>> -> memref<200xi32, #tpu.memory_space<hbm>>
        tpu.wait_dma2 semaphore(%run_scoped3A : memref<!tpu.dma_semaphore, #tpu.memory_space<semaphore_mem>>) src(%dma_wait3A_35 : memref<200xi32, #tpu.memory_space<hbm>>) dst(%arg8 : memref<200xi32, #tpu.memory_space<vmem>>)
        tpu.yield
      }) : () -> ()
      %eq3A_24 = arith.constant 0 : i32
      %eq3A_25 = arith.cmpi eq, %arg0, %eq3A_24 : i32
      %convert_element_type3A_26 = arith.extui %eq3A_25 : i1 to i32
      %cond3A_27 = arith.constant 0 : i32
      %cond3A_28 = arith.cmpi ne, %convert_element_type3A_26, %cond3A_27 : i32
      scf.if %cond3A_28 {
        "tpu.region"() ({
          %run_scoped3A = tpu.sem_alloc : memref<!tpu.dma_semaphore, #tpu.memory_space<semaphore_mem>>
          %dma_start3A = arith.constant 0 : i32
          %dma_start3A_34 = tpu.memref_slice %arg2[%add3A, %dma_start3A] : memref<320000x128xf32, #tpu.memory_space<hbm>> -> memref<200x128xf32, #tpu.memory_space<hbm>>
          %dma_start3A_35 = arith.constant 0 : i32
          %dma_start3A_36 = tpu.memref_slice %arg2[%add3A, %dma_start3A_35] : memref<320000x128xf32, #tpu.memory_space<hbm>> -> memref<200x128xf32, #tpu.memory_space<hbm>>
          tpu.enqueue_dma source(%dma_start3A_36 : memref<200x128xf32, #tpu.memory_space<hbm>>) target(%arg9 : memref<200x128xf32, #tpu.memory_space<vmem>>) target_semaphore(%run_scoped3A : memref<!tpu.dma_semaphore, #tpu.memory_space<semaphore_mem>>)
          %dma_wait3A = arith.constant 0 : i32
          %dma_wait3A_37 = tpu.memref_slice %arg2[%add3A, %dma_wait3A] : memref<320000x128xf32, #tpu.memory_space<hbm>> -> memref<200x128xf32, #tpu.memory_space<hbm>>
          %dma_wait3A_38 = arith.constant 0 : i32
          %dma_wait3A_39 = tpu.memref_slice %arg2[%add3A, %dma_wait3A_38] : memref<320000x128xf32, #tpu.memory_space<hbm>> -> memref<200x128xf32, #tpu.memory_space<hbm>>
          tpu.wait_dma2 semaphore(%run_scoped3A : memref<!tpu.dma_semaphore, #tpu.memory_space<semaphore_mem>>) src(%dma_wait3A_39 : memref<200x128xf32, #tpu.memory_space<hbm>>) dst(%arg9 : memref<200x128xf32, #tpu.memory_space<vmem>>)
          tpu.yield
        }) : () -> ()
        "tpu.region"() ({
          %run_scoped3A = tpu.sem_alloc : memref<!tpu.dma_semaphore, #tpu.memory_space<semaphore_mem>>
          %dma_start3A = arith.constant 0 : i32
          %dma_start3A_34 = arith.constant 0 : i32
          %dma_start3A_35 = tpu.memref_slice %arg10[%dma_start3A, %dma_start3A_34] : memref<10000x128xf32, #tpu.memory_space<vmem_shared>> -> memref<10000x128xf32, #tpu.memory_space<vmem_shared>>
          tpu.enqueue_indirect_dma source(%arg9 : memref<200x128xf32, #tpu.memory_space<vmem>>) target(%dma_start3A_35 : memref<10000x128xf32, #tpu.memory_space<vmem_shared>>) offsets(%arg8 : memref<200xi32, #tpu.memory_space<vmem>>) semaphore(%run_scoped3A : memref<!tpu.dma_semaphore, #tpu.memory_space<semaphore_mem>>) {add = true}
          %dma_wait3A = arith.constant 0 : i32
          %dma_wait3A_36 = arith.constant 0 : i32
          %dma_wait3A_37 = tpu.memref_slice %arg10[%dma_wait3A, %dma_wait3A_36] : memref<10000x128xf32, #tpu.memory_space<vmem_shared>> -> memref<10000x128xf32, #tpu.memory_space<vmem_shared>>
          tpu.wait_indirect_dma semaphore(%run_scoped3A : memref<!tpu.dma_semaphore, #tpu.memory_space<semaphore_mem>>) src(%arg9 : memref<200x128xf32, #tpu.memory_space<vmem>>) dst(%dma_wait3A_37 : memref<10000x128xf32, #tpu.memory_space<vmem_shared>>)
          tpu.yield
        }) : () -> ()
      } else {
      }
      %eq3A_29 = arith.constant 1 : i32
      %eq3A_30 = arith.cmpi eq, %arg0, %eq3A_29 : i32
      %convert_element_type3A_31 = arith.extui %eq3A_30 : i1 to i32
      %cond3A_32 = arith.constant 0 : i32
      %cond3A_33 = arith.cmpi ne, %convert_element_type3A_31, %cond3A_32 : i32
      scf.if %cond3A_33 {
        "tpu.region"() ({
          %run_scoped3A = tpu.sem_alloc : memref<!tpu.dma_semaphore, #tpu.memory_space<semaphore_mem>>
          %dma_start3A = arith.constant 0 : i32
          %dma_start3A_34 = tpu.memref_slice %arg3[%add3A, %dma_start3A] : memref<320000x128xf32, #tpu.memory_space<hbm>> -> memref<200x128xf32, #tpu.memory_space<hbm>>
          %dma_start3A_35 = arith.constant 0 : i32
          %dma_start3A_36 = tpu.memref_slice %arg3[%add3A, %dma_start3A_35] : memref<320000x128xf32, #tpu.memory_space<hbm>> -> memref<200x128xf32, #tpu.memory_space<hbm>>
          tpu.enqueue_dma source(%dma_start3A_36 : memref<200x128xf32, #tpu.memory_space<hbm>>) target(%arg9 : memref<200x128xf32, #tpu.memory_space<vmem>>) target_semaphore(%run_scoped3A : memref<!tpu.dma_semaphore, #tpu.memory_space<semaphore_mem>>)
          %dma_wait3A = arith.constant 0 : i32
          %dma_wait3A_37 = tpu.memref_slice %arg3[%add3A, %dma_wait3A] : memref<320000x128xf32, #tpu.memory_space<hbm>> -> memref<200x128xf32, #tpu.memory_space<hbm>>
          %dma_wait3A_38 = arith.constant 0 : i32
          %dma_wait3A_39 = tpu.memref_slice %arg3[%add3A, %dma_wait3A_38] : memref<320000x128xf32, #tpu.memory_space<hbm>> -> memref<200x128xf32, #tpu.memory_space<hbm>>
          tpu.wait_dma2 semaphore(%run_scoped3A : memref<!tpu.dma_semaphore, #tpu.memory_space<semaphore_mem>>) src(%dma_wait3A_39 : memref<200x128xf32, #tpu.memory_space<hbm>>) dst(%arg9 : memref<200x128xf32, #tpu.memory_space<vmem>>)
          tpu.yield
        }) : () -> ()
        "tpu.region"() ({
          %run_scoped3A = tpu.sem_alloc : memref<!tpu.dma_semaphore, #tpu.memory_space<semaphore_mem>>
          %dma_start3A = arith.constant 0 : i32
          %dma_start3A_34 = arith.constant 0 : i32
          %dma_start3A_35 = tpu.memref_slice %arg10[%dma_start3A, %dma_start3A_34] : memref<10000x128xf32, #tpu.memory_space<vmem_shared>> -> memref<10000x128xf32, #tpu.memory_space<vmem_shared>>
          tpu.enqueue_indirect_dma source(%arg9 : memref<200x128xf32, #tpu.memory_space<vmem>>) target(%dma_start3A_35 : memref<10000x128xf32, #tpu.memory_space<vmem_shared>>) offsets(%arg8 : memref<200xi32, #tpu.memory_space<vmem>>) semaphore(%run_scoped3A : memref<!tpu.dma_semaphore, #tpu.memory_space<semaphore_mem>>) {add = true}
          %dma_wait3A = arith.constant 0 : i32
          %dma_wait3A_36 = arith.constant 0 : i32
          %dma_wait3A_37 = tpu.memref_slice %arg10[%dma_wait3A, %dma_wait3A_36] : memref<10000x128xf32, #tpu.memory_space<vmem_shared>> -> memref<10000x128xf32, #tpu.memory_space<vmem_shared>>
          tpu.wait_indirect_dma semaphore(%run_scoped3A : memref<!tpu.dma_semaphore, #tpu.memory_space<semaphore_mem>>) src(%arg9 : memref<200x128xf32, #tpu.memory_space<vmem>>) dst(%dma_wait3A_37 : memref<10000x128xf32, #tpu.memory_space<vmem_shared>>)
          tpu.yield
        }) : () -> ()
      } else {
      }
    }
    %scan3A_7 = arith.constant 100 : i32
    %barrier3A_8 = arith.constant 0 : index
    tpu.barrier barrier_id(%barrier3A_8)
    %mul3A_9 = arith.constant 624 : i32
    %mul3A_10 = arith.muli %arg1, %mul3A_9 : i32
    %eq3A_11 = arith.constant 0 : i32
    %eq3A_12 = arith.cmpi eq, %arg0, %eq3A_11 : i32
    %convert_element_type3A_13 = arith.extui %eq3A_12 : i1 to i32
    %cond3A_14 = arith.constant 0 : i32
    %cond3A_15 = arith.cmpi ne, %convert_element_type3A_13, %cond3A_14 : i32
    scf.if %cond3A_15 {
      "tpu.region"() ({
        %run_scoped3A = tpu.sem_alloc : memref<!tpu.dma_semaphore, #tpu.memory_space<semaphore_mem>>
        %dma_start3A = arith.constant 0 : i32
        %dma_start3A_26 = tpu.memref_slice %arg6[%mul3A_10, %dma_start3A] : memref<10000x128xf32, #tpu.memory_space<hbm>> -> memref<624x128xf32, #tpu.memory_space<hbm>>
        %dma_start3A_27 = arith.constant 0 : i32
        %dma_start3A_28 = tpu.memref_slice %arg10[%mul3A_10, %dma_start3A_27] : memref<10000x128xf32, #tpu.memory_space<vmem_shared>> -> memref<624x128xf32, #tpu.memory_space<vmem_shared>>
        tpu.enqueue_dma source(%dma_start3A_28 : memref<624x128xf32, #tpu.memory_space<vmem_shared>>) target(%dma_start3A_26 : memref<624x128xf32, #tpu.memory_space<hbm>>) target_semaphore(%run_scoped3A : memref<!tpu.dma_semaphore, #tpu.memory_space<semaphore_mem>>)
        %dma_wait3A = arith.constant 0 : i32
        %dma_wait3A_29 = tpu.memref_slice %arg6[%mul3A_10, %dma_wait3A] : memref<10000x128xf32, #tpu.memory_space<hbm>> -> memref<624x128xf32, #tpu.memory_space<hbm>>
        %dma_wait3A_30 = arith.constant 0 : i32
        %dma_wait3A_31 = tpu.memref_slice %arg10[%mul3A_10, %dma_wait3A_30] : memref<10000x128xf32, #tpu.memory_space<vmem_shared>> -> memref<624x128xf32, #tpu.memory_space<vmem_shared>>
        tpu.wait_dma2 semaphore(%run_scoped3A : memref<!tpu.dma_semaphore, #tpu.memory_space<semaphore_mem>>) src(%dma_wait3A_31 : memref<624x128xf32, #tpu.memory_space<vmem_shared>>) dst(%dma_wait3A_29 : memref<624x128xf32, #tpu.memory_space<hbm>>)
        tpu.yield
      }) : () -> ()
      %eq3A_21 = arith.constant 15 : i32
      %eq3A_22 = arith.cmpi eq, %arg1, %eq3A_21 : i32
      %convert_element_type3A_23 = arith.extui %eq3A_22 : i1 to i32
      %cond3A_24 = arith.constant 0 : i32
      %cond3A_25 = arith.cmpi ne, %convert_element_type3A_23, %cond3A_24 : i32
      scf.if %cond3A_25 {
        "tpu.region"() ({
          %run_scoped3A = tpu.sem_alloc : memref<!tpu.dma_semaphore, #tpu.memory_space<semaphore_mem>>
          %dma_start3A = arith.constant 9984 : i32
          %dma_start3A_26 = arith.constant 0 : i32
          %dma_start3A_27 = tpu.memref_slice %arg6[%dma_start3A, %dma_start3A_26] : memref<10000x128xf32, #tpu.memory_space<hbm>> -> memref<16x128xf32, #tpu.memory_space<hbm>>
          %dma_start3A_28 = arith.constant 9984 : i32
          %dma_start3A_29 = arith.constant 0 : i32
          %dma_start3A_30 = tpu.memref_slice %arg10[%dma_start3A_28, %dma_start3A_29] : memref<10000x128xf32, #tpu.memory_space<vmem_shared>> -> memref<16x128xf32, #tpu.memory_space<vmem_shared>>
          tpu.enqueue_dma source(%dma_start3A_30 : memref<16x128xf32, #tpu.memory_space<vmem_shared>>) target(%dma_start3A_27 : memref<16x128xf32, #tpu.memory_space<hbm>>) target_semaphore(%run_scoped3A : memref<!tpu.dma_semaphore, #tpu.memory_space<semaphore_mem>>)
          %dma_wait3A = arith.constant 9984 : i32
          %dma_wait3A_31 = arith.constant 0 : i32
          %dma_wait3A_32 = tpu.memref_slice %arg6[%dma_wait3A, %dma_wait3A_31] : memref<10000x128xf32, #tpu.memory_space<hbm>> -> memref<16x128xf32, #tpu.memory_space<hbm>>
          %dma_wait3A_33 = arith.constant 9984 : i32
          %dma_wait3A_34 = arith.constant 0 : i32
          %dma_wait3A_35 = tpu.memref_slice %arg10[%dma_wait3A_33, %dma_wait3A_34] : memref<10000x128xf32, #tpu.memory_space<vmem_shared>> -> memref<16x128xf32, #tpu.memory_space<vmem_shared>>
          tpu.wait_dma2 semaphore(%run_scoped3A : memref<!tpu.dma_semaphore, #tpu.memory_space<semaphore_mem>>) src(%dma_wait3A_35 : memref<16x128xf32, #tpu.memory_space<vmem_shared>>) dst(%dma_wait3A_32 : memref<16x128xf32, #tpu.memory_space<hbm>>)
          tpu.yield
        }) : () -> ()
      } else {
      }
    } else {
    }
    %eq3A_16 = arith.constant 1 : i32
    %eq3A_17 = arith.cmpi eq, %arg0, %eq3A_16 : i32
    %convert_element_type3A_18 = arith.extui %eq3A_17 : i1 to i32
    %cond3A_19 = arith.constant 0 : i32
    %cond3A_20 = arith.cmpi ne, %convert_element_type3A_18, %cond3A_19 : i32
    scf.if %cond3A_20 {
      "tpu.region"() ({
        %run_scoped3A = tpu.sem_alloc : memref<!tpu.dma_semaphore, #tpu.memory_space<semaphore_mem>>
        %dma_start3A = arith.constant 0 : i32
        %dma_start3A_26 = tpu.memref_slice %arg7[%mul3A_10, %dma_start3A] : memref<10000x128xf32, #tpu.memory_space<hbm>> -> memref<624x128xf32, #tpu.memory_space<hbm>>
        %dma_start3A_27 = arith.constant 0 : i32
        %dma_start3A_28 = tpu.memref_slice %arg10[%mul3A_10, %dma_start3A_27] : memref<10000x128xf32, #tpu.memory_space<vmem_shared>> -> memref<624x128xf32, #tpu.memory_space<vmem_shared>>
        tpu.enqueue_dma source(%dma_start3A_28 : memref<624x128xf32, #tpu.memory_space<vmem_shared>>) target(%dma_start3A_26 : memref<624x128xf32, #tpu.memory_space<hbm>>) target_semaphore(%run_scoped3A : memref<!tpu.dma_semaphore, #tpu.memory_space<semaphore_mem>>)
        %dma_wait3A = arith.constant 0 : i32
        %dma_wait3A_29 = tpu.memref_slice %arg7[%mul3A_10, %dma_wait3A] : memref<10000x128xf32, #tpu.memory_space<hbm>> -> memref<624x128xf32, #tpu.memory_space<hbm>>
        %dma_wait3A_30 = arith.constant 0 : i32
        %dma_wait3A_31 = tpu.memref_slice %arg10[%mul3A_10, %dma_wait3A_30] : memref<10000x128xf32, #tpu.memory_space<vmem_shared>> -> memref<624x128xf32, #tpu.memory_space<vmem_shared>>
        tpu.wait_dma2 semaphore(%run_scoped3A : memref<!tpu.dma_semaphore, #tpu.memory_space<semaphore_mem>>) src(%dma_wait3A_31 : memref<624x128xf32, #tpu.memory_space<vmem_shared>>) dst(%dma_wait3A_29 : memref<624x128xf32, #tpu.memory_space<hbm>>)
        tpu.yield
      }) : () -> ()
      %eq3A_21 = arith.constant 15 : i32
      %eq3A_22 = arith.cmpi eq, %arg1, %eq3A_21 : i32
      %convert_element_type3A_23 = arith.extui %eq3A_22 : i1 to i32
      %cond3A_24 = arith.constant 0 : i32
      %cond3A_25 = arith.cmpi ne, %convert_element_type3A_23, %cond3A_24 : i32
      scf.if %cond3A_25 {
        "tpu.region"() ({
          %run_scoped3A = tpu.sem_alloc : memref<!tpu.dma_semaphore, #tpu.memory_space<semaphore_mem>>
          %dma_start3A = arith.constant 9984 : i32
          %dma_start3A_26 = arith.constant 0 : i32
          %dma_start3A_27 = tpu.memref_slice %arg7[%dma_start3A, %dma_start3A_26] : memref<10000x128xf32, #tpu.memory_space<hbm>> -> memref<16x128xf32, #tpu.memory_space<hbm>>
          %dma_start3A_28 = arith.constant 9984 : i32
          %dma_start3A_29 = arith.constant 0 : i32
          %dma_start3A_30 = tpu.memref_slice %arg10[%dma_start3A_28, %dma_start3A_29] : memref<10000x128xf32, #tpu.memory_space<vmem_shared>> -> memref<16x128xf32, #tpu.memory_space<vmem_shared>>
          tpu.enqueue_dma source(%dma_start3A_30 : memref<16x128xf32, #tpu.memory_space<vmem_shared>>) target(%dma_start3A_27 : memref<16x128xf32, #tpu.memory_space<hbm>>) target_semaphore(%run_scoped3A : memref<!tpu.dma_semaphore, #tpu.memory_space<semaphore_mem>>)
          %dma_wait3A = arith.constant 9984 : i32
          %dma_wait3A_31 = arith.constant 0 : i32
          %dma_wait3A_32 = tpu.memref_slice %arg7[%dma_wait3A, %dma_wait3A_31] : memref<10000x128xf32, #tpu.memory_space<hbm>> -> memref<16x128xf32, #tpu.memory_space<hbm>>
          %dma_wait3A_33 = arith.constant 9984 : i32
          %dma_wait3A_34 = arith.constant 0 : i32
          %dma_wait3A_35 = tpu.memref_slice %arg10[%dma_wait3A_33, %dma_wait3A_34] : memref<10000x128xf32, #tpu.memory_space<vmem_shared>> -> memref<16x128xf32, #tpu.memory_space<vmem_shared>>
          tpu.wait_dma2 semaphore(%run_scoped3A : memref<!tpu.dma_semaphore, #tpu.memory_space<semaphore_mem>>) src(%dma_wait3A_35 : memref<16x128xf32, #tpu.memory_space<vmem_shared>>) dst(%dma_wait3A_32 : memref<16x128xf32, #tpu.memory_space<hbm>>)
          tpu.yield
        }) : () -> ()
      } else {
      }
    } else {
    }
    return
  }
}

module attributes {stable_mosaic.version = 14 : i64} {
  func.func @_msg_body(%arg0: i32, %arg1: memref<4000x128xf32, #tpu.memory_space<vmem>>, %arg2: memref<4000x128xf32, #tpu.memory_space<vmem>>, %arg3: memref<4000x128xf32, #tpu.memory_space<vmem>>, %arg4: memref<4000x128xf32, #tpu.memory_space<vmem>>) attributes {dimension_semantics = [#tpu.dimension_semantics<arbitrary>], iteration_bounds = array<i64: 80>, scalar_prefetch = 0 : i64, scratch_operands = 0 : i64, tpu.core_type = #tpu.core_type<tc>, window_params = [{transform_indices = @transform_0, window_bounds = array<i64: 4000, 128>}, {transform_indices = @transform_1, window_bounds = array<i64: 4000, 128>}, {transform_indices = @transform_2, window_bounds = array<i64: 4000, 128>}, {transform_indices = @transform_3, window_bounds = array<i64: 4000, 128>}]} {
    %get3A = arith.constant 0 : index
    %get3A_0 = arith.constant 0 : index
    %get3A_1 = vector.load %arg1[%get3A, %get3A_0] : memref<4000x128xf32, #tpu.memory_space<vmem>>, vector<4000x128xf32>
    %get3A_2 = arith.constant 0 : index
    %get3A_3 = arith.constant 0 : index
    %get3A_4 = vector.load %arg2[%get3A_2, %get3A_3] : memref<4000x128xf32, #tpu.memory_space<vmem>>, vector<4000x128xf32>
    %add3A = arith.addf %get3A_1, %get3A_4 : vector<4000x128xf32>
    %swap3A = arith.constant 0 : index
    %swap3A_5 = arith.constant 0 : index
    %swap3A_6 = vector.load %arg3[%swap3A, %swap3A_5] : memref<4000x128xf32, #tpu.memory_space<vmem>>, vector<4000x128xf32>
    tpu.vector_store %arg3[%swap3A, %swap3A_5], %add3A {strides = array<i32>} : memref<4000x128xf32, #tpu.memory_space<vmem>>, vector<4000x128xf32>,
    %mul3A = arith.mulf %add3A, %add3A : vector<4000x128xf32>
    %swap3A_7 = arith.constant 0 : index
    %swap3A_8 = arith.constant 0 : index
    %swap3A_9 = vector.load %arg4[%swap3A_7, %swap3A_8] : memref<4000x128xf32, #tpu.memory_space<vmem>>, vector<4000x128xf32>
    tpu.vector_store %arg4[%swap3A_7, %swap3A_8], %mul3A {strides = array<i32>} : memref<4000x128xf32, #tpu.memory_space<vmem>>, vector<4000x128xf32>,
    return
  }
  func.func @transform_0(%arg0: i32) -> (i32, i32) {
    %c0_i32 = arith.constant 0 : i32
    %c0_i32_0 = arith.constant 0 : i32
    return %arg0, %c0_i32 : i32, i32
  }
  func.func @transform_1(%arg0: i32) -> (i32, i32) {
    %c0_i32 = arith.constant 0 : i32
    %c0_i32_0 = arith.constant 0 : i32
    return %arg0, %c0_i32 : i32, i32
  }
  func.func @transform_2(%arg0: i32) -> (i32, i32) {
    %c0_i32 = arith.constant 0 : i32
    %c0_i32_0 = arith.constant 0 : i32
    return %arg0, %c0_i32 : i32, i32
  }
  func.func @transform_3(%arg0: i32) -> (i32, i32) {
    %c0_i32 = arith.constant 0 : i32
    %c0_i32_0 = arith.constant 0 : i32
    return %arg0, %c0_i32 : i32, i32
  }
}

module attributes {stable_mosaic.version = 14 : i64} {
  func.func @_pre_body(%arg0: i32, %arg1: memref<2000x128xf32, #tpu.memory_space<vmem>>, %arg2: memref<128x128xf32, #tpu.memory_space<vmem>>, %arg3: memref<128x128xf32, #tpu.memory_space<vmem>>, %arg4: memref<1x128xf32, #tpu.memory_space<vmem>>, %arg5: memref<2000x128xf32, #tpu.memory_space<vmem>>, %arg6: memref<2000x128xf32, #tpu.memory_space<vmem>>) attributes {dimension_semantics = [#tpu.dimension_semantics<arbitrary>], iteration_bounds = array<i64: 5>, scalar_prefetch = 0 : i64, scratch_operands = 0 : i64, tpu.core_type = #tpu.core_type<tc>, window_params = [{transform_indices = @transform_0, window_bounds = array<i64: 2000, 128>}, {pipeline_mode = #tpu.pipeline_mode<synchronous>, transform_indices = @transform_1, window_bounds = array<i64: 128, 128>}, {pipeline_mode = #tpu.pipeline_mode<synchronous>, transform_indices = @transform_2, window_bounds = array<i64: 128, 128>}, {pipeline_mode = #tpu.pipeline_mode<synchronous>, transform_indices = @transform_3, window_bounds = array<i64: 1, 128>}, {transform_indices = @transform_4, window_bounds = array<i64: 2000, 128>}, {transform_indices = @transform_5, window_bounds = array<i64: 2000, 128>}]} {
    %get3A = arith.constant 0 : index
    %get3A_0 = arith.constant 0 : index
    %get3A_1 = vector.load %arg1[%get3A, %get3A_0] : memref<2000x128xf32, #tpu.memory_space<vmem>>, vector<2000x128xf32>
    %get3A_2 = arith.constant 0 : index
    %get3A_3 = arith.constant 0 : index
    %get3A_4 = vector.load %arg2[%get3A_2, %get3A_3] : memref<128x128xf32, #tpu.memory_space<vmem>>, vector<128x128xf32>
    %dot_general3A = arith.constant dense<0.000000e+00> : vector<2000x128xf32>
    %dot_general3A_5 = tpu.matmul %get3A_1, %get3A_4, %dot_general3A {dimension_numbers = #tpu.dot_dimension_numbers<[1], [0], [0], [1], [0, 0, 1, 1], [], []>, precision = #tpu.contract_precision<fp32>, transpose_lhs_hint = false} : vector<2000x128xf32>, vector<128x128xf32>, vector<2000x128xf32> -> vector<2000x128xf32>
    %get3A_6 = arith.constant 0 : index
    %get3A_7 = arith.constant 0 : index
    %get3A_8 = vector.load %arg4[%get3A_6, %get3A_7] : memref<1x128xf32, #tpu.memory_space<vmem>>, vector<1x128xf32>
    %add3A = vector.broadcast %get3A_8 : vector<1x128xf32> to vector<2000x128xf32>
    %add3A_9 = arith.addf %dot_general3A_5, %add3A : vector<2000x128xf32>
    %swap3A = arith.constant 0 : index
    %swap3A_10 = arith.constant 0 : index
    %swap3A_11 = vector.load %arg5[%swap3A, %swap3A_10] : memref<2000x128xf32, #tpu.memory_space<vmem>>, vector<2000x128xf32>
    tpu.vector_store %arg5[%swap3A, %swap3A_10], %add3A_9 {strides = array<i32>} : memref<2000x128xf32, #tpu.memory_space<vmem>>, vector<2000x128xf32>,
    %get3A_12 = arith.constant 0 : index
    %get3A_13 = arith.constant 0 : index
    %get3A_14 = vector.load %arg3[%get3A_12, %get3A_13] : memref<128x128xf32, #tpu.memory_space<vmem>>, vector<128x128xf32>
    %dot_general3A_15 = arith.constant dense<0.000000e+00> : vector<2000x128xf32>
    %dot_general3A_16 = tpu.matmul %get3A_1, %get3A_14, %dot_general3A_15 {dimension_numbers = #tpu.dot_dimension_numbers<[1], [0], [0], [1], [0, 0, 1, 1], [], []>, precision = #tpu.contract_precision<fp32>, transpose_lhs_hint = false} : vector<2000x128xf32>, vector<128x128xf32>, vector<2000x128xf32> -> vector<2000x128xf32>
    %swap3A_17 = arith.constant 0 : index
    %swap3A_18 = arith.constant 0 : index
    %swap3A_19 = vector.load %arg6[%swap3A_17, %swap3A_18] : memref<2000x128xf32, #tpu.memory_space<vmem>>, vector<2000x128xf32>
    tpu.vector_store %arg6[%swap3A_17, %swap3A_18], %dot_general3A_16 {strides = array<i32>} : memref<2000x128xf32, #tpu.memory_space<vmem>>, vector<2000x128xf32>,
    return
  }
  func.func @transform_0(%arg0: i32) -> (i32, i32) {
    %c0_i32 = arith.constant 0 : i32
    %c0_i32_0 = arith.constant 0 : i32
    return %arg0, %c0_i32 : i32, i32
  }
  func.func @transform_1(%arg0: i32) -> (i32, i32) {
    %c0_i32 = arith.constant 0 : i32
    %c0_i32_0 = arith.constant 0 : i32
    %c0_i32_1 = arith.constant 0 : i32
    return %c0_i32, %c0_i32_0 : i32, i32
  }
  func.func @transform_2(%arg0: i32) -> (i32, i32) {
    %c0_i32 = arith.constant 0 : i32
    %c0_i32_0 = arith.constant 0 : i32
    %c0_i32_1 = arith.constant 0 : i32
    return %c0_i32, %c0_i32_0 : i32, i32
  }
  func.func @transform_3(%arg0: i32) -> (i32, i32) {
    %c0_i32 = arith.constant 0 : i32
    %c0_i32_0 = arith.constant 0 : i32
    %c0_i32_1 = arith.constant 0 : i32
    return %c0_i32, %c0_i32_0 : i32, i32
  }
  func.func @transform_4(%arg0: i32) -> (i32, i32) {
    %c0_i32 = arith.constant 0 : i32
    %c0_i32_0 = arith.constant 0 : i32
    return %arg0, %c0_i32 : i32, i32
  }
  func.func @transform_5(%arg0: i32) -> (i32, i32) {
    %c0_i32 = arith.constant 0 : i32
    %c0_i32_0 = arith.constant 0 : i32
    return %arg0, %c0_i32 : i32, i32
  }
}

module attributes {stable_mosaic.version = 14 : i64} {
  func.func @_seg_body(%arg0: i32, %arg1: memref<512xi32, #tpu.memory_space<smem>>, %arg2: memref<512x128xf32, #tpu.memory_space<vmem>>, %arg3: memref<10000x128xf32, #tpu.memory_space<vmem>>, %arg4: memref<10000x128xf32, #tpu.memory_space<vmem>>, %arg5: memref<10000x128xf32, #tpu.memory_space<vmem>>) attributes {dimension_semantics = [#tpu.dimension_semantics<arbitrary>], iteration_bounds = array<i64: 625>, scalar_prefetch = 0 : i64, scratch_operands = 0 : i64, tpu.core_type = #tpu.core_type<tc>, window_params = [{transform_indices = @transform_0, window_bounds = array<i64: 512>}, {transform_indices = @transform_1, window_bounds = array<i64: 512, 128>}, {pipeline_mode = #tpu.pipeline_mode<synchronous>, transform_indices = @transform_2, window_bounds = array<i64: 10000, 128>}, {pipeline_mode = #tpu.pipeline_mode<synchronous>, transform_indices = @transform_3, window_bounds = array<i64: 10000, 128>}, {pipeline_mode = #tpu.pipeline_mode<synchronous>, transform_indices = @transform_4, window_bounds = array<i64: 10000, 128>}]} {
    %eq3A = arith.constant 0 : i32
    %eq3A_0 = arith.cmpi eq, %arg0, %eq3A : i32
    %convert_element_type3A = arith.extui %eq3A_0 : i1 to i32
    %cond3A = arith.constant 0 : i32
    %cond3A_1 = arith.cmpi ne, %convert_element_type3A, %cond3A : i32
    scf.if %cond3A_1 {
      %broadcast_in_dim3A = arith.constant 3.400000e+38 : f32
      %broadcast_in_dim3A_6 = vector.broadcast %broadcast_in_dim3A : f32 to vector<10000x128xf32>
      %swap3A = arith.constant 0 : index
      %swap3A_7 = arith.constant 0 : index
      %swap3A_8 = vector.load %arg3[%swap3A, %swap3A_7] : memref<10000x128xf32, #tpu.memory_space<vmem>>, vector<10000x128xf32>
      tpu.vector_store %arg3[%swap3A, %swap3A_7], %broadcast_in_dim3A_6 {strides = array<i32>} : memref<10000x128xf32, #tpu.memory_space<vmem>>, vector<10000x128xf32>,
      %broadcast_in_dim3A_9 = arith.constant -3.400000e+38 : f32
      %broadcast_in_dim3A_10 = vector.broadcast %broadcast_in_dim3A_9 : f32 to vector<10000x128xf32>
      %swap3A_11 = arith.constant 0 : index
      %swap3A_12 = arith.constant 0 : index
      %swap3A_13 = vector.load %arg4[%swap3A_11, %swap3A_12] : memref<10000x128xf32, #tpu.memory_space<vmem>>, vector<10000x128xf32>
      tpu.vector_store %arg4[%swap3A_11, %swap3A_12], %broadcast_in_dim3A_10 {strides = array<i32>} : memref<10000x128xf32, #tpu.memory_space<vmem>>, vector<10000x128xf32>,
      %broadcast_in_dim3A_14 = arith.constant 0.000000e+00 : f32
      %broadcast_in_dim3A_15 = vector.broadcast %broadcast_in_dim3A_14 : f32 to vector<10000x128xf32>
      %swap3A_16 = arith.constant 0 : index
      %swap3A_17 = arith.constant 0 : index
      %swap3A_18 = vector.load %arg5[%swap3A_16, %swap3A_17] : memref<10000x128xf32, #tpu.memory_space<vmem>>, vector<10000x128xf32>
      tpu.vector_store %arg5[%swap3A_16, %swap3A_17], %broadcast_in_dim3A_15 {strides = array<i32>} : memref<10000x128xf32, #tpu.memory_space<vmem>>, vector<10000x128xf32>,
    } else {
    }
    %scan3A = arith.constant 0 : i32
    %scan3A_2 = arith.constant 512 : i32
    %scan3A_3 = arith.addi %scan3A, %scan3A_2 : i32
    %scan3A_4 = arith.constant 8 : i32
    scf.for %scan3A_6 = %scan3A to %scan3A_3 step %scan3A_4  : i32 {
      %get3A = arith.index_cast %scan3A_6 : i32 to index
      %get3A_7 = memref.load %arg1[%get3A] : memref<512xi32, #tpu.memory_space<smem>>
      %get3A_8 = arith.index_cast %scan3A_6 : i32 to index
      %get3A_9 = arith.constant 0 : index
      %get3A_10 = vector.load %arg2[%get3A_8, %get3A_9] : memref<512x128xf32, #tpu.memory_space<vmem>>, vector<1x128xf32>
      %get3A_11 = arith.index_cast %get3A_7 : i32 to index
      %get3A_12 = arith.constant 0 : index
      %get3A_13 = vector.load %arg3[%get3A_11, %get3A_12] : memref<10000x128xf32, #tpu.memory_space<vmem>>, vector<1x128xf32>
      %min3A = arith.minimumf %get3A_13, %get3A_10 : vector<1x128xf32>
      %swap3A = arith.index_cast %get3A_7 : i32 to index
      %swap3A_14 = arith.constant 0 : index
      %swap3A_15 = vector.load %arg3[%swap3A, %swap3A_14] : memref<10000x128xf32, #tpu.memory_space<vmem>>, vector<1x128xf32>
      tpu.vector_store %arg3[%swap3A, %swap3A_14], %min3A {strides = array<i32>} : memref<10000x128xf32, #tpu.memory_space<vmem>>, vector<1x128xf32>,
      %get3A_16 = arith.index_cast %get3A_7 : i32 to index
      %get3A_17 = arith.constant 0 : index
      %get3A_18 = vector.load %arg4[%get3A_16, %get3A_17] : memref<10000x128xf32, #tpu.memory_space<vmem>>, vector<1x128xf32>
      %max3A = arith.maximumf %get3A_18, %get3A_10 : vector<1x128xf32>
      %swap3A_19 = arith.index_cast %get3A_7 : i32 to index
      %swap3A_20 = arith.constant 0 : index
      %swap3A_21 = vector.load %arg4[%swap3A_19, %swap3A_20] : memref<10000x128xf32, #tpu.memory_space<vmem>>, vector<1x128xf32>
      tpu.vector_store %arg4[%swap3A_19, %swap3A_20], %max3A {strides = array<i32>} : memref<10000x128xf32, #tpu.memory_space<vmem>>, vector<1x128xf32>,
      %get3A_22 = arith.index_cast %get3A_7 : i32 to index
      %get3A_23 = arith.constant 0 : index
      %get3A_24 = vector.load %arg5[%get3A_22, %get3A_23] : memref<10000x128xf32, #tpu.memory_space<vmem>>, vector<1x128xf32>
      %add3A = arith.constant 1.000000e+00 : f32
      %add3A_25 = vector.broadcast %add3A : f32 to vector<1x128xf32>
      %add3A_26 = arith.addf %get3A_24, %add3A_25 : vector<1x128xf32>
      %swap3A_27 = arith.index_cast %get3A_7 : i32 to index
      %swap3A_28 = arith.constant 0 : index
      %swap3A_29 = vector.load %arg5[%swap3A_27, %swap3A_28] : memref<10000x128xf32, #tpu.memory_space<vmem>>, vector<1x128xf32>
      tpu.vector_store %arg5[%swap3A_27, %swap3A_28], %add3A_26 {strides = array<i32>} : memref<10000x128xf32, #tpu.memory_space<vmem>>, vector<1x128xf32>,
      %scan3A_30 = arith.constant 1 : i32
      %scan3A_31 = arith.addi %scan3A_6, %scan3A_30 : i32
      %get3A_32 = arith.index_cast %scan3A_31 : i32 to index
      %get3A_33 = memref.load %arg1[%get3A_32] : memref<512xi32, #tpu.memory_space<smem>>
      %get3A_34 = arith.index_cast %scan3A_31 : i32 to index
      %get3A_35 = arith.constant 0 : index
      %get3A_36 = vector.load %arg2[%get3A_34, %get3A_35] : memref<512x128xf32, #tpu.memory_space<vmem>>, vector<1x128xf32>
      %get3A_37 = arith.index_cast %get3A_33 : i32 to index
      %get3A_38 = arith.constant 0 : index
      %get3A_39 = vector.load %arg3[%get3A_37, %get3A_38] : memref<10000x128xf32, #tpu.memory_space<vmem>>, vector<1x128xf32>
      %min3A_40 = arith.minimumf %get3A_39, %get3A_36 : vector<1x128xf32>
      %swap3A_41 = arith.index_cast %get3A_33 : i32 to index
      %swap3A_42 = arith.constant 0 : index
      %swap3A_43 = vector.load %arg3[%swap3A_41, %swap3A_42] : memref<10000x128xf32, #tpu.memory_space<vmem>>, vector<1x128xf32>
      tpu.vector_store %arg3[%swap3A_41, %swap3A_42], %min3A_40 {strides = array<i32>} : memref<10000x128xf32, #tpu.memory_space<vmem>>, vector<1x128xf32>,
      %get3A_44 = arith.index_cast %get3A_33 : i32 to index
      %get3A_45 = arith.constant 0 : index
      %get3A_46 = vector.load %arg4[%get3A_44, %get3A_45] : memref<10000x128xf32, #tpu.memory_space<vmem>>, vector<1x128xf32>
      %max3A_47 = arith.maximumf %get3A_46, %get3A_36 : vector<1x128xf32>
      %swap3A_48 = arith.index_cast %get3A_33 : i32 to index
      %swap3A_49 = arith.constant 0 : index
      %swap3A_50 = vector.load %arg4[%swap3A_48, %swap3A_49] : memref<10000x128xf32, #tpu.memory_space<vmem>>, vector<1x128xf32>
      tpu.vector_store %arg4[%swap3A_48, %swap3A_49], %max3A_47 {strides = array<i32>} : memref<10000x128xf32, #tpu.memory_space<vmem>>, vector<1x128xf32>,
      %get3A_51 = arith.index_cast %get3A_33 : i32 to index
      %get3A_52 = arith.constant 0 : index
      %get3A_53 = vector.load %arg5[%get3A_51, %get3A_52] : memref<10000x128xf32, #tpu.memory_space<vmem>>, vector<1x128xf32>
      %add3A_54 = arith.constant 1.000000e+00 : f32
      %add3A_55 = vector.broadcast %add3A_54 : f32 to vector<1x128xf32>
      %add3A_56 = arith.addf %get3A_53, %add3A_55 : vector<1x128xf32>
      %swap3A_57 = arith.index_cast %get3A_33 : i32 to index
      %swap3A_58 = arith.constant 0 : index
      %swap3A_59 = vector.load %arg5[%swap3A_57, %swap3A_58] : memref<10000x128xf32, #tpu.memory_space<vmem>>, vector<1x128xf32>
      tpu.vector_store %arg5[%swap3A_57, %swap3A_58], %add3A_56 {strides = array<i32>} : memref<10000x128xf32, #tpu.memory_space<vmem>>, vector<1x128xf32>,
      %scan3A_60 = arith.constant 2 : i32
      %scan3A_61 = arith.addi %scan3A_6, %scan3A_60 : i32
      %get3A_62 = arith.index_cast %scan3A_61 : i32 to index
      %get3A_63 = memref.load %arg1[%get3A_62] : memref<512xi32, #tpu.memory_space<smem>>
      %get3A_64 = arith.index_cast %scan3A_61 : i32 to index
      %get3A_65 = arith.constant 0 : index
      %get3A_66 = vector.load %arg2[%get3A_64, %get3A_65] : memref<512x128xf32, #tpu.memory_space<vmem>>, vector<1x128xf32>
      %get3A_67 = arith.index_cast %get3A_63 : i32 to index
      %get3A_68 = arith.constant 0 : index
      %get3A_69 = vector.load %arg3[%get3A_67, %get3A_68] : memref<10000x128xf32, #tpu.memory_space<vmem>>, vector<1x128xf32>
      %min3A_70 = arith.minimumf %get3A_69, %get3A_66 : vector<1x128xf32>
      %swap3A_71 = arith.index_cast %get3A_63 : i32 to index
      %swap3A_72 = arith.constant 0 : index
      %swap3A_73 = vector.load %arg3[%swap3A_71, %swap3A_72] : memref<10000x128xf32, #tpu.memory_space<vmem>>, vector<1x128xf32>
      tpu.vector_store %arg3[%swap3A_71, %swap3A_72], %min3A_70 {strides = array<i32>} : memref<10000x128xf32, #tpu.memory_space<vmem>>, vector<1x128xf32>,
      %get3A_74 = arith.index_cast %get3A_63 : i32 to index
      %get3A_75 = arith.constant 0 : index
      %get3A_76 = vector.load %arg4[%get3A_74, %get3A_75] : memref<10000x128xf32, #tpu.memory_space<vmem>>, vector<1x128xf32>
      %max3A_77 = arith.maximumf %get3A_76, %get3A_66 : vector<1x128xf32>
      %swap3A_78 = arith.index_cast %get3A_63 : i32 to index
      %swap3A_79 = arith.constant 0 : index
      %swap3A_80 = vector.load %arg4[%swap3A_78, %swap3A_79] : memref<10000x128xf32, #tpu.memory_space<vmem>>, vector<1x128xf32>
      tpu.vector_store %arg4[%swap3A_78, %swap3A_79], %max3A_77 {strides = array<i32>} : memref<10000x128xf32, #tpu.memory_space<vmem>>, vector<1x128xf32>,
      %get3A_81 = arith.index_cast %get3A_63 : i32 to index
      %get3A_82 = arith.constant 0 : index
      %get3A_83 = vector.load %arg5[%get3A_81, %get3A_82] : memref<10000x128xf32, #tpu.memory_space<vmem>>, vector<1x128xf32>
      %add3A_84 = arith.constant 1.000000e+00 : f32
      %add3A_85 = vector.broadcast %add3A_84 : f32 to vector<1x128xf32>
      %add3A_86 = arith.addf %get3A_83, %add3A_85 : vector<1x128xf32>
      %swap3A_87 = arith.index_cast %get3A_63 : i32 to index
      %swap3A_88 = arith.constant 0 : index
      %swap3A_89 = vector.load %arg5[%swap3A_87, %swap3A_88] : memref<10000x128xf32, #tpu.memory_space<vmem>>, vector<1x128xf32>
      tpu.vector_store %arg5[%swap3A_87, %swap3A_88], %add3A_86 {strides = array<i32>} : memref<10000x128xf32, #tpu.memory_space<vmem>>, vector<1x128xf32>,
      %scan3A_90 = arith.constant 3 : i32
      %scan3A_91 = arith.addi %scan3A_6, %scan3A_90 : i32
      %get3A_92 = arith.index_cast %scan3A_91 : i32 to index
      %get3A_93 = memref.load %arg1[%get3A_92] : memref<512xi32, #tpu.memory_space<smem>>
      %get3A_94 = arith.index_cast %scan3A_91 : i32 to index
      %get3A_95 = arith.constant 0 : index
      %get3A_96 = vector.load %arg2[%get3A_94, %get3A_95] : memref<512x128xf32, #tpu.memory_space<vmem>>, vector<1x128xf32>
      %get3A_97 = arith.index_cast %get3A_93 : i32 to index
      %get3A_98 = arith.constant 0 : index
      %get3A_99 = vector.load %arg3[%get3A_97, %get3A_98] : memref<10000x128xf32, #tpu.memory_space<vmem>>, vector<1x128xf32>
      %min3A_100 = arith.minimumf %get3A_99, %get3A_96 : vector<1x128xf32>
      %swap3A_101 = arith.index_cast %get3A_93 : i32 to index
      %swap3A_102 = arith.constant 0 : index
      %swap3A_103 = vector.load %arg3[%swap3A_101, %swap3A_102] : memref<10000x128xf32, #tpu.memory_space<vmem>>, vector<1x128xf32>
      tpu.vector_store %arg3[%swap3A_101, %swap3A_102], %min3A_100 {strides = array<i32>} : memref<10000x128xf32, #tpu.memory_space<vmem>>, vector<1x128xf32>,
      %get3A_104 = arith.index_cast %get3A_93 : i32 to index
      %get3A_105 = arith.constant 0 : index
      %get3A_106 = vector.load %arg4[%get3A_104, %get3A_105] : memref<10000x128xf32, #tpu.memory_space<vmem>>, vector<1x128xf32>
      %max3A_107 = arith.maximumf %get3A_106, %get3A_96 : vector<1x128xf32>
      %swap3A_108 = arith.index_cast %get3A_93 : i32 to index
      %swap3A_109 = arith.constant 0 : index
      %swap3A_110 = vector.load %arg4[%swap3A_108, %swap3A_109] : memref<10000x128xf32, #tpu.memory_space<vmem>>, vector<1x128xf32>
      tpu.vector_store %arg4[%swap3A_108, %swap3A_109], %max3A_107 {strides = array<i32>} : memref<10000x128xf32, #tpu.memory_space<vmem>>, vector<1x128xf32>,
      %get3A_111 = arith.index_cast %get3A_93 : i32 to index
      %get3A_112 = arith.constant 0 : index
      %get3A_113 = vector.load %arg5[%get3A_111, %get3A_112] : memref<10000x128xf32, #tpu.memory_space<vmem>>, vector<1x128xf32>
      %add3A_114 = arith.constant 1.000000e+00 : f32
      %add3A_115 = vector.broadcast %add3A_114 : f32 to vector<1x128xf32>
      %add3A_116 = arith.addf %get3A_113, %add3A_115 : vector<1x128xf32>
      %swap3A_117 = arith.index_cast %get3A_93 : i32 to index
      %swap3A_118 = arith.constant 0 : index
      %swap3A_119 = vector.load %arg5[%swap3A_117, %swap3A_118] : memref<10000x128xf32, #tpu.memory_space<vmem>>, vector<1x128xf32>
      tpu.vector_store %arg5[%swap3A_117, %swap3A_118], %add3A_116 {strides = array<i32>} : memref<10000x128xf32, #tpu.memory_space<vmem>>, vector<1x128xf32>,
      %scan3A_120 = arith.constant 4 : i32
      %scan3A_121 = arith.addi %scan3A_6, %scan3A_120 : i32
      %get3A_122 = arith.index_cast %scan3A_121 : i32 to index
      %get3A_123 = memref.load %arg1[%get3A_122] : memref<512xi32, #tpu.memory_space<smem>>
      %get3A_124 = arith.index_cast %scan3A_121 : i32 to index
      %get3A_125 = arith.constant 0 : index
      %get3A_126 = vector.load %arg2[%get3A_124, %get3A_125] : memref<512x128xf32, #tpu.memory_space<vmem>>, vector<1x128xf32>
      %get3A_127 = arith.index_cast %get3A_123 : i32 to index
      %get3A_128 = arith.constant 0 : index
      %get3A_129 = vector.load %arg3[%get3A_127, %get3A_128] : memref<10000x128xf32, #tpu.memory_space<vmem>>, vector<1x128xf32>
      %min3A_130 = arith.minimumf %get3A_129, %get3A_126 : vector<1x128xf32>
      %swap3A_131 = arith.index_cast %get3A_123 : i32 to index
      %swap3A_132 = arith.constant 0 : index
      %swap3A_133 = vector.load %arg3[%swap3A_131, %swap3A_132] : memref<10000x128xf32, #tpu.memory_space<vmem>>, vector<1x128xf32>
      tpu.vector_store %arg3[%swap3A_131, %swap3A_132], %min3A_130 {strides = array<i32>} : memref<10000x128xf32, #tpu.memory_space<vmem>>, vector<1x128xf32>,
      %get3A_134 = arith.index_cast %get3A_123 : i32 to index
      %get3A_135 = arith.constant 0 : index
      %get3A_136 = vector.load %arg4[%get3A_134, %get3A_135] : memref<10000x128xf32, #tpu.memory_space<vmem>>, vector<1x128xf32>
      %max3A_137 = arith.maximumf %get3A_136, %get3A_126 : vector<1x128xf32>
      %swap3A_138 = arith.index_cast %get3A_123 : i32 to index
      %swap3A_139 = arith.constant 0 : index
      %swap3A_140 = vector.load %arg4[%swap3A_138, %swap3A_139] : memref<10000x128xf32, #tpu.memory_space<vmem>>, vector<1x128xf32>
      tpu.vector_store %arg4[%swap3A_138, %swap3A_139], %max3A_137 {strides = array<i32>} : memref<10000x128xf32, #tpu.memory_space<vmem>>, vector<1x128xf32>,
      %get3A_141 = arith.index_cast %get3A_123 : i32 to index
      %get3A_142 = arith.constant 0 : index
      %get3A_143 = vector.load %arg5[%get3A_141, %get3A_142] : memref<10000x128xf32, #tpu.memory_space<vmem>>, vector<1x128xf32>
      %add3A_144 = arith.constant 1.000000e+00 : f32
      %add3A_145 = vector.broadcast %add3A_144 : f32 to vector<1x128xf32>
      %add3A_146 = arith.addf %get3A_143, %add3A_145 : vector<1x128xf32>
      %swap3A_147 = arith.index_cast %get3A_123 : i32 to index
      %swap3A_148 = arith.constant 0 : index
      %swap3A_149 = vector.load %arg5[%swap3A_147, %swap3A_148] : memref<10000x128xf32, #tpu.memory_space<vmem>>, vector<1x128xf32>
      tpu.vector_store %arg5[%swap3A_147, %swap3A_148], %add3A_146 {strides = array<i32>} : memref<10000x128xf32, #tpu.memory_space<vmem>>, vector<1x128xf32>,
      %scan3A_150 = arith.constant 5 : i32
      %scan3A_151 = arith.addi %scan3A_6, %scan3A_150 : i32
      %get3A_152 = arith.index_cast %scan3A_151 : i32 to index
      %get3A_153 = memref.load %arg1[%get3A_152] : memref<512xi32, #tpu.memory_space<smem>>
      %get3A_154 = arith.index_cast %scan3A_151 : i32 to index
      %get3A_155 = arith.constant 0 : index
      %get3A_156 = vector.load %arg2[%get3A_154, %get3A_155] : memref<512x128xf32, #tpu.memory_space<vmem>>, vector<1x128xf32>
      %get3A_157 = arith.index_cast %get3A_153 : i32 to index
      %get3A_158 = arith.constant 0 : index
      %get3A_159 = vector.load %arg3[%get3A_157, %get3A_158] : memref<10000x128xf32, #tpu.memory_space<vmem>>, vector<1x128xf32>
      %min3A_160 = arith.minimumf %get3A_159, %get3A_156 : vector<1x128xf32>
      %swap3A_161 = arith.index_cast %get3A_153 : i32 to index
      %swap3A_162 = arith.constant 0 : index
      %swap3A_163 = vector.load %arg3[%swap3A_161, %swap3A_162] : memref<10000x128xf32, #tpu.memory_space<vmem>>, vector<1x128xf32>
      tpu.vector_store %arg3[%swap3A_161, %swap3A_162], %min3A_160 {strides = array<i32>} : memref<10000x128xf32, #tpu.memory_space<vmem>>, vector<1x128xf32>,
      %get3A_164 = arith.index_cast %get3A_153 : i32 to index
      %get3A_165 = arith.constant 0 : index
      %get3A_166 = vector.load %arg4[%get3A_164, %get3A_165] : memref<10000x128xf32, #tpu.memory_space<vmem>>, vector<1x128xf32>
      %max3A_167 = arith.maximumf %get3A_166, %get3A_156 : vector<1x128xf32>
      %swap3A_168 = arith.index_cast %get3A_153 : i32 to index
      %swap3A_169 = arith.constant 0 : index
      %swap3A_170 = vector.load %arg4[%swap3A_168, %swap3A_169] : memref<10000x128xf32, #tpu.memory_space<vmem>>, vector<1x128xf32>
      tpu.vector_store %arg4[%swap3A_168, %swap3A_169], %max3A_167 {strides = array<i32>} : memref<10000x128xf32, #tpu.memory_space<vmem>>, vector<1x128xf32>,
      %get3A_171 = arith.index_cast %get3A_153 : i32 to index
      %get3A_172 = arith.constant 0 : index
      %get3A_173 = vector.load %arg5[%get3A_171, %get3A_172] : memref<10000x128xf32, #tpu.memory_space<vmem>>, vector<1x128xf32>
      %add3A_174 = arith.constant 1.000000e+00 : f32
      %add3A_175 = vector.broadcast %add3A_174 : f32 to vector<1x128xf32>
      %add3A_176 = arith.addf %get3A_173, %add3A_175 : vector<1x128xf32>
      %swap3A_177 = arith.index_cast %get3A_153 : i32 to index
      %swap3A_178 = arith.constant 0 : index
      %swap3A_179 = vector.load %arg5[%swap3A_177, %swap3A_178] : memref<10000x128xf32, #tpu.memory_space<vmem>>, vector<1x128xf32>
      tpu.vector_store %arg5[%swap3A_177, %swap3A_178], %add3A_176 {strides = array<i32>} : memref<10000x128xf32, #tpu.memory_space<vmem>>, vector<1x128xf32>,
      %scan3A_180 = arith.constant 6 : i32
      %scan3A_181 = arith.addi %scan3A_6, %scan3A_180 : i32
      %get3A_182 = arith.index_cast %scan3A_181 : i32 to index
      %get3A_183 = memref.load %arg1[%get3A_182] : memref<512xi32, #tpu.memory_space<smem>>
      %get3A_184 = arith.index_cast %scan3A_181 : i32 to index
      %get3A_185 = arith.constant 0 : index
      %get3A_186 = vector.load %arg2[%get3A_184, %get3A_185] : memref<512x128xf32, #tpu.memory_space<vmem>>, vector<1x128xf32>
      %get3A_187 = arith.index_cast %get3A_183 : i32 to index
      %get3A_188 = arith.constant 0 : index
      %get3A_189 = vector.load %arg3[%get3A_187, %get3A_188] : memref<10000x128xf32, #tpu.memory_space<vmem>>, vector<1x128xf32>
      %min3A_190 = arith.minimumf %get3A_189, %get3A_186 : vector<1x128xf32>
      %swap3A_191 = arith.index_cast %get3A_183 : i32 to index
      %swap3A_192 = arith.constant 0 : index
      %swap3A_193 = vector.load %arg3[%swap3A_191, %swap3A_192] : memref<10000x128xf32, #tpu.memory_space<vmem>>, vector<1x128xf32>
      tpu.vector_store %arg3[%swap3A_191, %swap3A_192], %min3A_190 {strides = array<i32>} : memref<10000x128xf32, #tpu.memory_space<vmem>>, vector<1x128xf32>,
      %get3A_194 = arith.index_cast %get3A_183 : i32 to index
      %get3A_195 = arith.constant 0 : index
      %get3A_196 = vector.load %arg4[%get3A_194, %get3A_195] : memref<10000x128xf32, #tpu.memory_space<vmem>>, vector<1x128xf32>
      %max3A_197 = arith.maximumf %get3A_196, %get3A_186 : vector<1x128xf32>
      %swap3A_198 = arith.index_cast %get3A_183 : i32 to index
      %swap3A_199 = arith.constant 0 : index
      %swap3A_200 = vector.load %arg4[%swap3A_198, %swap3A_199] : memref<10000x128xf32, #tpu.memory_space<vmem>>, vector<1x128xf32>
      tpu.vector_store %arg4[%swap3A_198, %swap3A_199], %max3A_197 {strides = array<i32>} : memref<10000x128xf32, #tpu.memory_space<vmem>>, vector<1x128xf32>,
      %get3A_201 = arith.index_cast %get3A_183 : i32 to index
      %get3A_202 = arith.constant 0 : index
      %get3A_203 = vector.load %arg5[%get3A_201, %get3A_202] : memref<10000x128xf32, #tpu.memory_space<vmem>>, vector<1x128xf32>
      %add3A_204 = arith.constant 1.000000e+00 : f32
      %add3A_205 = vector.broadcast %add3A_204 : f32 to vector<1x128xf32>
      %add3A_206 = arith.addf %get3A_203, %add3A_205 : vector<1x128xf32>
      %swap3A_207 = arith.index_cast %get3A_183 : i32 to index
      %swap3A_208 = arith.constant 0 : index
      %swap3A_209 = vector.load %arg5[%swap3A_207, %swap3A_208] : memref<10000x128xf32, #tpu.memory_space<vmem>>, vector<1x128xf32>
      tpu.vector_store %arg5[%swap3A_207, %swap3A_208], %add3A_206 {strides = array<i32>} : memref<10000x128xf32, #tpu.memory_space<vmem>>, vector<1x128xf32>,
      %scan3A_210 = arith.constant 7 : i32
      %scan3A_211 = arith.addi %scan3A_6, %scan3A_210 : i32
      %get3A_212 = arith.index_cast %scan3A_211 : i32 to index
      %get3A_213 = memref.load %arg1[%get3A_212] : memref<512xi32, #tpu.memory_space<smem>>
      %get3A_214 = arith.index_cast %scan3A_211 : i32 to index
      %get3A_215 = arith.constant 0 : index
      %get3A_216 = vector.load %arg2[%get3A_214, %get3A_215] : memref<512x128xf32, #tpu.memory_space<vmem>>, vector<1x128xf32>
      %get3A_217 = arith.index_cast %get3A_213 : i32 to index
      %get3A_218 = arith.constant 0 : index
      %get3A_219 = vector.load %arg3[%get3A_217, %get3A_218] : memref<10000x128xf32, #tpu.memory_space<vmem>>, vector<1x128xf32>
      %min3A_220 = arith.minimumf %get3A_219, %get3A_216 : vector<1x128xf32>
      %swap3A_221 = arith.index_cast %get3A_213 : i32 to index
      %swap3A_222 = arith.constant 0 : index
      %swap3A_223 = vector.load %arg3[%swap3A_221, %swap3A_222] : memref<10000x128xf32, #tpu.memory_space<vmem>>, vector<1x128xf32>
      tpu.vector_store %arg3[%swap3A_221, %swap3A_222], %min3A_220 {strides = array<i32>} : memref<10000x128xf32, #tpu.memory_space<vmem>>, vector<1x128xf32>,
      %get3A_224 = arith.index_cast %get3A_213 : i32 to index
      %get3A_225 = arith.constant 0 : index
      %get3A_226 = vector.load %arg4[%get3A_224, %get3A_225] : memref<10000x128xf32, #tpu.memory_space<vmem>>, vector<1x128xf32>
      %max3A_227 = arith.maximumf %get3A_226, %get3A_216 : vector<1x128xf32>
      %swap3A_228 = arith.index_cast %get3A_213 : i32 to index
      %swap3A_229 = arith.constant 0 : index
      %swap3A_230 = vector.load %arg4[%swap3A_228, %swap3A_229] : memref<10000x128xf32, #tpu.memory_space<vmem>>, vector<1x128xf32>
      tpu.vector_store %arg4[%swap3A_228, %swap3A_229], %max3A_227 {strides = array<i32>} : memref<10000x128xf32, #tpu.memory_space<vmem>>, vector<1x128xf32>,
      %get3A_231 = arith.index_cast %get3A_213 : i32 to index
      %get3A_232 = arith.constant 0 : index
      %get3A_233 = vector.load %arg5[%get3A_231, %get3A_232] : memref<10000x128xf32, #tpu.memory_space<vmem>>, vector<1x128xf32>
      %add3A_234 = arith.constant 1.000000e+00 : f32
      %add3A_235 = vector.broadcast %add3A_234 : f32 to vector<1x128xf32>
      %add3A_236 = arith.addf %get3A_233, %add3A_235 : vector<1x128xf32>
      %swap3A_237 = arith.index_cast %get3A_213 : i32 to index
      %swap3A_238 = arith.constant 0 : index
      %swap3A_239 = vector.load %arg5[%swap3A_237, %swap3A_238] : memref<10000x128xf32, #tpu.memory_space<vmem>>, vector<1x128xf32>
      tpu.vector_store %arg5[%swap3A_237, %swap3A_238], %add3A_236 {strides = array<i32>} : memref<10000x128xf32, #tpu.memory_space<vmem>>, vector<1x128xf32>,
    }
    %scan3A_5 = arith.constant 512 : i32
    return
  }
  func.func @transform_0(%arg0: i32) -> i32 {
    %c0_i32 = arith.constant 0 : i32
    return %arg0 : i32
  }
  func.func @transform_1(%arg0: i32) -> (i32, i32) {
    %c0_i32 = arith.constant 0 : i32
    %c0_i32_0 = arith.constant 0 : i32
    return %arg0, %c0_i32 : i32, i32
  }
  func.func @transform_2(%arg0: i32) -> (i32, i32) {
    %c0_i32 = arith.constant 0 : i32
    %c0_i32_0 = arith.constant 0 : i32
    %c0_i32_1 = arith.constant 0 : i32
    return %c0_i32, %c0_i32_0 : i32, i32
  }
  func.func @transform_3(%arg0: i32) -> (i32, i32) {
    %c0_i32 = arith.constant 0 : i32
    %c0_i32_0 = arith.constant 0 : i32
    %c0_i32_1 = arith.constant 0 : i32
    return %c0_i32, %c0_i32_0 : i32, i32
  }
  func.func @transform_4(%arg0: i32) -> (i32, i32) {
    %c0_i32 = arith.constant 0 : i32
    %c0_i32_0 = arith.constant 0 : i32
    %c0_i32_1 = arith.constant 0 : i32
    return %c0_i32, %c0_i32_0 : i32, i32
  }
}

module attributes {stable_mosaic.version = 14 : i64} {
  func.func @_post_body(%arg0: i32, %arg1: memref<400x128xf32, #tpu.memory_space<vmem>>, %arg2: memref<400x128xf32, #tpu.memory_space<vmem>>, %arg3: memref<400x128xf32, #tpu.memory_space<vmem>>, %arg4: memref<400x128xf32, #tpu.memory_space<vmem>>, %arg5: memref<400x128xf32, #tpu.memory_space<vmem>>, %arg6: memref<400x128xf32, #tpu.memory_space<vmem>>, %arg7: memref<1664x128xf32, #tpu.memory_space<vmem>>, %arg8: memref<1x128xf32, #tpu.memory_space<vmem>>, %arg9: memref<128x128xf32, #tpu.memory_space<vmem>>, %arg10: memref<1x128xf32, #tpu.memory_space<vmem>>, %arg11: memref<400x128xf32, #tpu.memory_space<vmem>>) attributes {dimension_semantics = [#tpu.dimension_semantics<arbitrary>], iteration_bounds = array<i64: 25>, scalar_prefetch = 0 : i64, scratch_operands = 0 : i64, tpu.core_type = #tpu.core_type<tc>, window_params = [{transform_indices = @transform_0, window_bounds = array<i64: 400, 128>}, {transform_indices = @transform_1, window_bounds = array<i64: 400, 128>}, {transform_indices = @transform_2, window_bounds = array<i64: 400, 128>}, {transform_indices = @transform_3, window_bounds = array<i64: 400, 128>}, {transform_indices = @transform_4, window_bounds = array<i64: 400, 128>}, {transform_indices = @transform_5, window_bounds = array<i64: 400, 128>}, {pipeline_mode = #tpu.pipeline_mode<synchronous>, transform_indices = @transform_6, window_bounds = array<i64: 1664, 128>}, {pipeline_mode = #tpu.pipeline_mode<synchronous>, transform_indices = @transform_7, window_bounds = array<i64: 1, 128>}, {pipeline_mode = #tpu.pipeline_mode<synchronous>, transform_indices = @transform_8, window_bounds = array<i64: 128, 128>}, {pipeline_mode = #tpu.pipeline_mode<synchronous>, transform_indices = @transform_9, window_bounds = array<i64: 1, 128>}, {transform_indices = @transform_10, window_bounds = array<i64: 400, 128>}]} {
    %get3A = arith.constant 0 : index
    %get3A_0 = arith.constant 0 : index
    %get3A_1 = vector.load %arg1[%get3A, %get3A_0] : memref<400x128xf32, #tpu.memory_space<vmem>>, vector<400x128xf32>
    %get3A_2 = arith.constant 0 : index
    %get3A_3 = arith.constant 0 : index
    %get3A_4 = vector.load %arg6[%get3A_2, %get3A_3] : memref<400x128xf32, #tpu.memory_space<vmem>>, vector<400x128xf32>
    %slice3A = vector.extract_strided_slice %get3A_4 {offsets = [0, 0], sizes = [400, 1], strides = [1, 1]} : vector<400x128xf32> to vector<400x1xf32>
    %max3A = arith.constant 1.000000e+00 : f32
    %max3A_5 = vector.broadcast %max3A : f32 to vector<400x1xf32>
    %max3A_6 = arith.maximumf %slice3A, %max3A_5 : vector<400x1xf32>
    %get3A_7 = arith.constant 0 : index
    %get3A_8 = arith.constant 0 : index
    %get3A_9 = vector.load %arg2[%get3A_7, %get3A_8] : memref<400x128xf32, #tpu.memory_space<vmem>>, vector<400x128xf32>
    %div3A = vector.broadcast %max3A_6 : vector<400x1xf32> to vector<400x128xf32>
    %div3A_10 = arith.divf %get3A_9, %div3A : vector<400x128xf32>
    %get3A_11 = arith.constant 0 : index
    %get3A_12 = arith.constant 0 : index
    %get3A_13 = vector.load %arg3[%get3A_11, %get3A_12] : memref<400x128xf32, #tpu.memory_space<vmem>>, vector<400x128xf32>
    %div3A_14 = vector.broadcast %max3A_6 : vector<400x1xf32> to vector<400x128xf32>
    %div3A_15 = arith.divf %get3A_13, %div3A_14 : vector<400x128xf32>
    %mul3A = arith.mulf %div3A_10, %div3A_10 : vector<400x128xf32>
    %sub3A = arith.subf %div3A_15, %mul3A : vector<400x128xf32>
    %max3A_16 = arith.constant 0.000000e+00 : f32
    %max3A_17 = vector.broadcast %max3A_16 : f32 to vector<400x128xf32>
    %max3A_18 = arith.maximumf %sub3A, %max3A_17 : vector<400x128xf32>
    %add3A = arith.constant 9.99999974E-6 : f32
    %add3A_19 = vector.broadcast %add3A : f32 to vector<400x128xf32>
    %add3A_20 = arith.addf %max3A_18, %add3A_19 : vector<400x128xf32>
    %sqrt3A = math.sqrt %add3A_20 : vector<400x128xf32>
    %gt3A = arith.constant 0.000000e+00 : f32
    %gt3A_21 = vector.broadcast %gt3A : f32 to vector<400x1xf32>
    %gt3A_22 = arith.cmpf ogt, %slice3A, %gt3A_21 : vector<400x1xf32>
    %get3A_23 = arith.constant 0 : index
    %get3A_24 = arith.constant 0 : index
    %get3A_25 = vector.load %arg4[%get3A_23, %get3A_24] : memref<400x128xf32, #tpu.memory_space<vmem>>, vector<400x128xf32>
    %jit3A = arith.constant 0.000000e+00 : f32
    %broadcast_in_dim3A = vector.shape_cast %gt3A_22 : vector<400x1xi1> to vector<400x1xi1>
    %broadcast_in_dim3A_26 = vector.broadcast %broadcast_in_dim3A : vector<400x1xi1> to vector<400x128xi1>
    %broadcast_in_dim3A_27 = vector.broadcast %jit3A : f32 to vector<400x128xf32>
    %select_n3A = arith.select %broadcast_in_dim3A_26, %get3A_25, %broadcast_in_dim3A_27 : vector<400x128xi1>, vector<400x128xf32>
    %get3A_28 = arith.constant 0 : index
    %get3A_29 = arith.constant 0 : index
    %get3A_30 = vector.load %arg5[%get3A_28, %get3A_29] : memref<400x128xf32, #tpu.memory_space<vmem>>, vector<400x128xf32>
    %jit3A_31 = arith.constant 0.000000e+00 : f32
    %broadcast_in_dim3A_32 = vector.shape_cast %gt3A_22 : vector<400x1xi1> to vector<400x1xi1>
    %broadcast_in_dim3A_33 = vector.broadcast %broadcast_in_dim3A_32 : vector<400x1xi1> to vector<400x128xi1>
    %broadcast_in_dim3A_34 = vector.broadcast %jit3A_31 : f32 to vector<400x128xf32>
    %select_n3A_35 = arith.select %broadcast_in_dim3A_33, %get3A_30, %broadcast_in_dim3A_34 : vector<400x128xi1>, vector<400x128xf32>
    %concatenate3A = tpu.concatenate %div3A_10, %select_n3A, %select_n3A_35, %sqrt3A in 1 : vector<400x128xf32>, vector<400x128xf32>, vector<400x128xf32>, vector<400x128xf32> -> vector<400x512xf32>
    %add3A_36 = arith.constant 1.000000e+00 : f32
    %add3A_37 = vector.broadcast %add3A_36 : f32 to vector<400x1xf32>
    %add3A_38 = arith.addf %max3A_6, %add3A_37 : vector<400x1xf32>
    %log3A = math.log %add3A_38 : vector<400x1xf32>
    %div3A_39 = arith.constant 3.49650764 : f32
    %div3A_40 = vector.broadcast %div3A_39 : f32 to vector<400x1xf32>
    %div3A_41 = arith.divf %log3A, %div3A_40 : vector<400x1xf32>
    %mul3A_42 = vector.broadcast %div3A_41 : vector<400x1xf32> to vector<400x512xf32>
    %mul3A_43 = arith.mulf %concatenate3A, %mul3A_42 : vector<400x512xf32>
    %div3A_44 = arith.constant 3.49650764 : f32
    %div3A_45 = vector.broadcast %div3A_44 : f32 to vector<400x1xf32>
    %div3A_46 = arith.divf %div3A_45, %log3A : vector<400x1xf32>
    %mul3A_47 = vector.broadcast %div3A_46 : vector<400x1xf32> to vector<400x512xf32>
    %mul3A_48 = arith.mulf %concatenate3A, %mul3A_47 : vector<400x512xf32>
    %concatenate3A_49 = tpu.concatenate %get3A_1, %concatenate3A, %mul3A_43, %mul3A_48 in 1 : vector<400x128xf32>, vector<400x512xf32>, vector<400x512xf32>, vector<400x512xf32> -> vector<400x1664xf32>
    %get3A_50 = arith.constant 0 : index
    %get3A_51 = arith.constant 0 : index
    %get3A_52 = vector.load %arg7[%get3A_50, %get3A_51] : memref<1664x128xf32, #tpu.memory_space<vmem>>, vector<1664x128xf32>
    %dot_general3A = arith.constant dense<0.000000e+00> : vector<400x128xf32>
    %dot_general3A_53 = tpu.matmul %concatenate3A_49, %get3A_52, %dot_general3A {dimension_numbers = #tpu.dot_dimension_numbers<[1], [0], [0], [1], [0, 0, 1, 1], [], []>, precision = #tpu.contract_precision<fp32>, transpose_lhs_hint = false} : vector<400x1664xf32>, vector<1664x128xf32>, vector<400x128xf32> -> vector<400x128xf32>
    %get3A_54 = arith.constant 0 : index
    %get3A_55 = arith.constant 0 : index
    %get3A_56 = vector.load %arg8[%get3A_54, %get3A_55] : memref<1x128xf32, #tpu.memory_space<vmem>>, vector<1x128xf32>
    %add3A_57 = vector.broadcast %get3A_56 : vector<1x128xf32> to vector<400x128xf32>
    %add3A_58 = arith.addf %dot_general3A_53, %add3A_57 : vector<400x128xf32>
    %get3A_59 = arith.constant 0 : index
    %get3A_60 = arith.constant 0 : index
    %get3A_61 = vector.load %arg9[%get3A_59, %get3A_60] : memref<128x128xf32, #tpu.memory_space<vmem>>, vector<128x128xf32>
    %dot_general3A_62 = arith.constant dense<0.000000e+00> : vector<400x128xf32>
    %dot_general3A_63 = tpu.matmul %add3A_58, %get3A_61, %dot_general3A_62 {dimension_numbers = #tpu.dot_dimension_numbers<[1], [0], [0], [1], [0, 0, 1, 1], [], []>, precision = #tpu.contract_precision<fp32>, transpose_lhs_hint = false} : vector<400x128xf32>, vector<128x128xf32>, vector<400x128xf32> -> vector<400x128xf32>
    %get3A_64 = arith.constant 0 : index
    %get3A_65 = arith.constant 0 : index
    %get3A_66 = vector.load %arg10[%get3A_64, %get3A_65] : memref<1x128xf32, #tpu.memory_space<vmem>>, vector<1x128xf32>
    %add3A_67 = vector.broadcast %get3A_66 : vector<1x128xf32> to vector<400x128xf32>
    %add3A_68 = arith.addf %dot_general3A_63, %add3A_67 : vector<400x128xf32>
    %add3A_69 = arith.addf %get3A_1, %add3A_68 : vector<400x128xf32>
    %swap3A = arith.constant 0 : index
    %swap3A_70 = arith.constant 0 : index
    %swap3A_71 = vector.load %arg11[%swap3A, %swap3A_70] : memref<400x128xf32, #tpu.memory_space<vmem>>, vector<400x128xf32>
    tpu.vector_store %arg11[%swap3A, %swap3A_70], %add3A_69 {strides = array<i32>} : memref<400x128xf32, #tpu.memory_space<vmem>>, vector<400x128xf32>,
    return
  }
  func.func @transform_0(%arg0: i32) -> (i32, i32) {
    %c0_i32 = arith.constant 0 : i32
    %c0_i32_0 = arith.constant 0 : i32
    return %arg0, %c0_i32 : i32, i32
  }
  func.func @transform_1(%arg0: i32) -> (i32, i32) {
    %c0_i32 = arith.constant 0 : i32
    %c0_i32_0 = arith.constant 0 : i32
    return %arg0, %c0_i32 : i32, i32
  }
  func.func @transform_2(%arg0: i32) -> (i32, i32) {
    %c0_i32 = arith.constant 0 : i32
    %c0_i32_0 = arith.constant 0 : i32
    return %arg0, %c0_i32 : i32, i32
  }
  func.func @transform_3(%arg0: i32) -> (i32, i32) {
    %c0_i32 = arith.constant 0 : i32
    %c0_i32_0 = arith.constant 0 : i32
    return %arg0, %c0_i32 : i32, i32
  }
  func.func @transform_4(%arg0: i32) -> (i32, i32) {
    %c0_i32 = arith.constant 0 : i32
    %c0_i32_0 = arith.constant 0 : i32
    return %arg0, %c0_i32 : i32, i32
  }
  func.func @transform_5(%arg0: i32) -> (i32, i32) {
    %c0_i32 = arith.constant 0 : i32
    %c0_i32_0 = arith.constant 0 : i32
    return %arg0, %c0_i32 : i32, i32
  }
  func.func @transform_6(%arg0: i32) -> (i32, i32) {
    %c0_i32 = arith.constant 0 : i32
    %c0_i32_0 = arith.constant 0 : i32
    %c0_i32_1 = arith.constant 0 : i32
    return %c0_i32, %c0_i32_0 : i32, i32
  }
  func.func @transform_7(%arg0: i32) -> (i32, i32) {
    %c0_i32 = arith.constant 0 : i32
    %c0_i32_0 = arith.constant 0 : i32
    %c0_i32_1 = arith.constant 0 : i32
    return %c0_i32, %c0_i32_0 : i32, i32
  }
  func.func @transform_8(%arg0: i32) -> (i32, i32) {
    %c0_i32 = arith.constant 0 : i32
    %c0_i32_0 = arith.constant 0 : i32
    %c0_i32_1 = arith.constant 0 : i32
    return %c0_i32, %c0_i32_0 : i32, i32
  }
  func.func @transform_9(%arg0: i32) -> (i32, i32) {
    %c0_i32 = arith.constant 0 : i32
    %c0_i32_0 = arith.constant 0 : i32
    %c0_i32_1 = arith.constant 0 : i32
    return %c0_i32, %c0_i32_0 : i32, i32
  }
  func.func @transform_10(%arg0: i32) -> (i32, i32) {
    %c0_i32 = arith.constant 0 : i32
    %c0_i32_0 = arith.constant 0 : i32
    return %arg0, %c0_i32 : i32, i32
  }
}

</mosaic_0001>

<sc_bundles>
// kernel: kernel.11.cloned.1.call-start
scs
__scs_entry_jumppad:
0x0: {  	(pc) =	sbr.rel $0x88, $3  }
0x1: {  	(tag) =	ssettag $0x0;
	lr =	simm.s32 $0x1  }
0x2: {  	[smem:$0x3F99] =	sst lr;
	_ =	strace $0xD0000000  }
0x3: {  	_ = 	snop  }
0x4: {  	_ = 	snop  }
0x5: {  	_ = 	snop  }
0x6: {  	_ = 	snop  }
0x7: {  	_ = 	snop  }
__scs_overlays_trampoline_lowered:
0x8: {  	[smem:$0x3FA8] =	sst s0  }
0x9: {  	[smem:$0x3FA9] =	sst s1  }
0xa: {  	[smem:$0x3FAA] =	sst s2  }
0xb: {  	[smem:$0x3FAB] =	sst s3  }
0xc: {  	[smem:$0x3FAC] =	sst s4  }
0xd: {  	[smem:$0x3FAD] =	sst s5  }
0xe: {  	[smem:$0x3FAE] =	sst s6  }
0xf: {  	[smem:$0x3FAF] =	sst s7  }
0x10: {  	[smem:$0x3FB0] =	sst s8  }
0x11: {  	[smem:$0x3FB1] =	sst s9;
	s0 =	simm.s32 @!p0 $0x0  }
0x12: {  	s1 =	sld [smem:$0x3F97];
	s0 =	simm.s32 @p0 $0x1  }
0x13: {  	[smem:$0x3FB2] =	sst s0;
	s0 =	simm.s32 @!p1 $0x0  }
0x14: {  	s2 =	sld [smem:$0x3F96];
	s0 =	simm.s32 @p1 $0x1  }
0x15: {  	[smem:$0x3FB3] =	sst s0;
	s0 =	simm.s32 @!p2 $0x0  }
0x16: {  	s3 =	sld [smem:$0x3FDB];
	s0 =	simm.s32 @p2 $0x1  }
0x17: {  	s4 =	simm.s32 $0x1BF5;
	[smem:$0x3FB5] =	sst s0  }
0x18: {  	s0 =	sld [smem:$0x3F98];
	_ =	swait.ge [sflag:s4], $0x0  }
0x19: {  	s7 =	sld [smem:$0x3F99]  }
0x1a: {  	s8 =	sadd.s32 $0xFFFFE003, lr  }
0x1b: {  	s9 =	sadd.s32 $0xFFFFFEF7, lr;
	s5 =	simm.s32 $0xFFFFFFFF;
	p2 =	slt.u32 s8, $0xFFFFF086  }
0x1c: {  	p1 =	slt.u32 s9, $0xF7A;
	s5 =	simm.s32 @!p2 $0x0  }
0x1d: {  	s5 =	simm.s32 @p1 $0x1;
	p0 =	seq.s32 s7, s2  }
0x1e: {  	s7 =	smul.u32 @!p0 $0xF7A, s2;
	p2 =	seq.s32 @!p0 s5, $0x0  }
0x1f: {  	s9 =	smul.u32 $0xF7A, s1;
	s8 =	simm.s32 @!p0 $0x1BF5;
	p2 =	por !p2, p0  }
0x20: {  	[sflag:s8] =	ssyncset.s32 @!p0 $0xFFFFF086;
	s6 =	sadd.s32 @!p0 s3, s7;
	s7 =	simm.s32 @!p0 $0x108  }
0x21: {  	s3 =	sadd.s32 s3, s9;
	s6 =	sadd.s32 @!p0 $0x88, s6;
	s7 =	simm.s32 @p2 $0x1082  }
0x22: {  	[simem:s7], [sflag:s8] =	dma.local @!p0 [hbm:s6], $0xF7A  }
0x23: {  	s9 =	sor.u32 $0xD0000000, s2;
	s6 =	simm.s32 $0x108;
	_ =	swait.ge @!p0 [sflag:s8], $0x0  }
0x24: {  	s3 =	sadd.s32 $0x88, s3;
	s6 =	simm.s32 @!p1 $0x1082;
	[sflag:s4] =	ssyncset.s32 $0xFFFFF086  }
0x25: {  	[simem:s6], [sflag:s4] =	dma.local [hbm:s3], $0xF7A  }
0x26: {  	[smem:$0x3F99] =	sst s1;
	(tag) =	ssettag s2;
	_ =	strace s9  }
0x27: {  	s1 =	sld [smem:$0x3FA9]  }
0x28: {  	s2 =	sld [smem:$0x3FAA]  }
0x29: {  	s4 =	sld [smem:$0x3FAC]  }
0x2a: {  	p0 =	seq.s32 s5, $0x0;
	s5 =	sld [smem:$0x3FAD]  }
0x2b: {  	s6 =	sld [smem:$0x3FAE]  }
0x2c: {  	s7 =	sld [smem:$0x3FAF]  }
0x2d: {  	s3 =	simm.s32 $0x108;
	s8 =	sld [smem:$0x3FB0]  }
0x2e: {  	s3 =	simm.s32 @!p0 $0x1082;
	s9 =	sld [smem:$0x3FB1]  }
0x2f: {  	lr =	sadd.s32 s0, s3;
	s0 =	sld [smem:$0x3FA8]  }
0x30: {  	s3 =	sld [smem:$0x3FAB]  }
0x31: {  	[smem:$0x3FB4] =	sst s10  }
0x32: {  	s10 =	sld [smem:$0x3FB2];
	_ =	sdelay $0x3  }
0x33: {  	p0 =	seq.s32 s10, $0x1;
	s10 =	sld [smem:$0x3FB4];
	_ =	sdelay $0x3  }
0x34: {  	[smem:$0x3FB4] =	sst s10  }
0x35: {  	s10 =	sld [smem:$0x3FB3];
	_ =	sdelay $0x3  }
0x36: {  	p1 =	seq.s32 s10, $0x1;
	s10 =	sld [smem:$0x3FB4];
	_ =	sdelay $0x3  }
0x37: {  	[smem:$0x3FB4] =	sst s10  }
0x38: {  	s10 =	sld [smem:$0x3FB5]  }
0x39: {  	_ = 	snop;
	(pc) =	sbr.ind lr, $3  }
0x3a: {  	_ = 	snop  }
0x3b: {  	_ = 	snop  }
0x3c: {  	p2 =	seq.s32 s10, $0x1;
	s10 =	sld [smem:$0x3FB4]  }
0x3d: {  	_ =	shalt  }
0x3e: {  	_ =	shalt  }
0x3f: {  	_ =	shalt  }
0x40: {  	_ =	shalt  }
0x41: {  	_ =	shalt  }
0x42: {  	_ =	shalt  }
0x43: {  	_ =	shalt  }
0x44: {  	_ =	shalt  }
0x45: {  	_ =	shalt  }
0x46: {  	_ =	shalt  }
0x47: {  	_ =	shalt  }
0x48: {  	_ =	shalt  }
0x49: {  	_ =	shalt  }
0x4a: {  	_ =	shalt  }
0x4b: {  	_ =	shalt  }
0x4c: {  	_ =	shalt  }
0x4d: {  	_ =	shalt  }
0x4e: {  	_ =	shalt  }
0x4f: {  	_ =	shalt  }
0x50: {  	_ =	shalt  }
0x51: {  	_ =	shalt  }
0x52: {  	_ =	shalt  }
0x53: {  	_ =	shalt  }
0x54: {  	_ =	shalt  }
0x55: {  	_ =	shalt  }
0x56: {  	_ =	shalt  }
0x57: {  	_ =	shalt  }
0x58: {  	_ =	shalt  }
0x59: {  	_ =	shalt  }
0x5a: {  	_ =	shalt  }
0x5b: {  	_ =	shalt  }
0x5c: {  	_ =	shalt  }
0x5d: {  	_ =	shalt  }
0x5e: {  	_ =	shalt  }
0x5f: {  	_ =	shalt  }
0x60: {  	_ =	shalt  }
0x61: {  	_ =	shalt  }
0x62: {  	_ =	shalt  }
0x63: {  	_ =	shalt  }
0x64: {  	_ =	shalt  }
0x65: {  	_ =	shalt  }
0x66: {  	_ =	shalt  }
0x67: {  	_ =	shalt  }
0x68: {  	_ =	shalt  }
0x69: {  	_ =	shalt  }
0x6a: {  	_ =	shalt  }
0x6b: {  	_ =	shalt  }
0x6c: {  	_ =	shalt  }
0x6d: {  	_ =	shalt  }
0x6e: {  	_ =	shalt  }
0x6f: {  	_ =	shalt  }
0x70: {  	_ =	shalt  }
0x71: {  	_ =	shalt  }
0x72: {  	_ =	shalt  }
0x73: {  	_ =	shalt  }
0x74: {  	_ =	shalt  }
0x75: {  	_ =	shalt  }
0x76: {  	_ =	shalt  }
0x77: {  	_ =	shalt  }
0x78: {  	_ =	shalt  }
0x79: {  	_ =	shalt  }
0x7a: {  	_ =	shalt  }
0x7b: {  	_ =	shalt  }
0x7c: {  	_ =	shalt  }
0x7d: {  	_ =	shalt  }
0x7e: {  	_ =	shalt  }
0x7f: {  	_ =	shalt  }
0x80: {  	_ =	shalt  }
0x81: {  	_ =	shalt  }
0x82: {  	_ =	shalt  }
0x83: {  	_ =	shalt  }
0x84: {  	_ =	shalt  }
0x85: {  	_ =	shalt  }
0x86: {  	_ =	shalt  }
0x87: {  	_ =	shalt  }
.Lfunc_end0:
.L_simem_size_0:
called_computation.1_lowered:
.L_overlay_start_0:
0x88: {  	s2 =	sld [smem:$0x3FD9]  }
0x89: {  	s3 =	sld [smem:$0x3FFE];
	_ =	sdelay $0x1  }
0x8a: {  	s1 =	srdreg.scid  }
0x8b: {  	s0 =	sand.u32 $0x1, s1  }
0x8c: {  	s17 =	sshll.u32 s0, $0xA;
	s2 =	sadd.s32 s3, s2  }
0x8d: {  	s2 =	sadd.s32 s2, s17  }
0x8e: {  	[smem:$0x3FC0] =	sst s2  }
0x8f: {  	_ = 	snop  }
0x90: {  	s2 =	sld [smem:$0x3FD0];
	(tm) =	ssettm $0x1  }
0x91: {  	s18 =	sld [smem:$0x3FFB];
	_ =	sdelay $0x3  }
0x92: {  	_ =	strace s18  }
0x93: {  	s3 =	sld [smem:$0x3FFC];
	_ =	sdelay $0x3  }
0x94: {  	_ =	strace s3  }
0x95: {  	s3 =	sld [smem:$0x3FFD];
	_ =	sdelay $0x3  }
0x96: {  	_ =	strace s3  }
0x97: {  	_ =	strace $0x8FFFFFFF  }
0x98: {  	s19 =	sld [smem:$0x3FDB];
	_ =	sdelay $0x1  }
0x99: {  	s4 =	simm.s32 $_scs_section_size  }
0x9a: {  	s5 =	simm.s32 $_size__tile_overlayer_lowered;
	s6 =	simm.s32 $_tile_overlayer_lowered  }
0x9b: {  	s22 =	simm.s32 $0x1BFF;
	s21 =	sshll.u32 s6, $0x1;
	s3 =	sadd.s32 s4, s19  }
0x9c: {  	s7 =	simm.s32 $0x0;
	s20 =	sshll.u32 s5, $0x1;
	s5 =	sadd.s32 s21, s3  }
0x9d: {  	[timem:s7], [sflag:s22] =	dma.local [hbm:s5], s20  }
0x9e: {  	_ =	swait.ge [sflag:s22], s20  }
0x9f: {  	s4 =	ssub.s32 $0x0, s20;
	[sflag:s22] =	ssyncset.done $0x0  }
0xa0: {  	[sflag:s22] =	ssyncadd.s32 s4;
	_ =	sdelay $0x1  }
0xa1: {  	s23 =	simm.s32 $0x1B8B  }
0xa2: {  	_ =	swait.ge [sflag:s23], $0x1  }
0xa3: {  	[sflag:s23] =	ssyncset.done $0x0  }
0xa4: {  	s25 =	simm.s32 $0x1B8E;
	s24 =	sld [smem:$0x3FFE];
	[sflag:s23] =	ssyncadd.s32 $0xFFFFFFFF  }
0xa5: {  	s26 =	simm.s32 $execute0_lowered;
	[smem:$0x3FD2] =	sst s25  }
0xa6: {  	s5 =	sshll.u32 s26, $0x1;
	_ =	strace $0x80000049;
	[dreg:$0x1] =	wrdreg $0xFFFFFFFF  }
0xa7: {  	s28 =	simm.s32 $_size_execute0_lowered;
	s3 =	sadd.s32 s3, s5;
	[dreg:$0x0] =	wrdreg $0x0  }
0xa8: {  	s5 =	sshll.u32 s28, $0x1;
	[dreg:$0x2] =	wrdreg s3  }
0xa9: {  	[dreg:$0x3] =	wrdreg s5  }
0xaa: {  	[dreg:$0x4] =	wrdreg $0xC0  }
0xab: {  	_ =	task [dreg:s7], $0x5FFFF  }
0xac: {  	[dreg:$0x1] =	wrdreg $0xFFFFFFFF  }
0xad: {  	[dreg:$0x0] =	wrdreg $0x60  }
0xae: {  	[dreg:$0x2] =	wrdreg s24  }
0xaf: {  	[dreg:$0x3] =	wrdreg s2  }
0xb0: {  	[dreg:$0x4] =	wrdreg $0x65000  }
0xb1: {  	[dreg:$0x5] =	wrdreg $0x9  }
0xb2: {  	_ =	task.clear_ibuf [dreg:s7], $0x6FFFF;
	_ =	strace $0x90000049  }
0xb3: {  	s29 =	simm.s32 $0x9;
	_ =	strace $0x8000004B  }
0xb4: {  	_ =	swait.ge [sflag:s29], $0x1  }
0xb5: {  	[sflag:s29] =	ssyncadd.s32 $0xFFFFFFFF  }
0xb6: {  	_ =	strace $0x9000004B  }
0xb7: {  	_ =	sfence  }
0xb8: {  	s30 =	sld [smem:$0x0];
	_ =	sdelay $0x2  }
0xb9: {  	s31 =	sshll.u32 s1, $0xD;
	s1 =	sshrl.u32 s1, $0x2  }
0xba: {  	s3 =	sand.u32 $0x4000, s31;
	s1 =	sadd.s32 s1, s30  }
0xbb: {  	s0 =	sor.u32 s3, s0;
	s1 =	sshll.u32 s1, $0x11  }
0xbc: {  	s0 =	sor.u32 s1, s0  }
0xbd: {  	s0 =	sadd.s32 $0x8F2B, s0  }
0xbe: {  	[sflag:s0] =	ssyncadd.remote.s32 $0x1  }
0xbf: {  	_ =	sfence.sel $0xFFFF  }
0xc0: {  	[dreg:$0x0] =	wrdreg $0xFFFFFFFF;
	(pc) =	sbr.abs _section_cstart, $3  }
0xc1: {  	[dreg:$0x1] =	wrdreg $0xFFFFFFFF  }
0xc2: {  	_ =	task.clear_ibuf [dreg:s7], $0x2FFFF;
	_ =	strace $0x9FFFFFFF  }
0xc3: {  	(tm) =	ssettm $0x7FFFFFFF  }
tec
execute0_lowered:
.L_overlay_start_1:
0x0: {  	(tag) =	ssettag $0x1  }
0x1: {  	s6 =	rddreg [dreg:$0x0]  }
0x2: {  	s1 =	rddreg [dreg:$0x1]  }
0x3: {  	s2 =	rddreg [dreg:$0x2];
	s4 =	stileid.u32  }
0x4: {  	s3 =	simm.s32 $0x0;
	s8 =	srdreg.scid;
	s5 =	smul.u32 $0x4E200, s4  }
0x5: {  	s16 =	simm.s32 $0x1;
	s18 =	simm.s32 $0x0;
	s7 =	smul.u32 $0x9C4, s4  }
0x6: {  	[smem:$0x7FF] =	sst s3;
	s15 =	sand.u32 $0x1, s8;
	s30 =	smul.u32 $0x4E000, s4  }
0x7: {  	s10 =	smul.u32 $0x2700, s4;
	s17 =	sadd.s32 $0x138000, s2;
	p1 =	sne.s32 s4, $0x0  }
0x8: {  	p3 =	sne.s32 s4, $0xF;
	p4 =	seq.s32 s4, $0xF;
	_ =	strace $0x8000004A  }
0x9: {  	s29 =	ssub.s32 $0x2, s15;
	p0 =	seq.s32 s15, $0x1;
	s14 =	sshrl.u32 @!p1 s2, $0x3  }
0xa: {  	p2 =	sne.s32 s15, $0x0;
	s15 =	simm.s32 $0x2;
	s17 =	sshrl.u32 s17, $0x3  }
.Ltmp0:
0xb: {  	s12 =	sadd.s32 s5, s6;
	s13 =	sadd.s32 s7, s6;
	(pc) =	sbr.rel .LBB2_1-.Ltmp0, $4  }
0xc: {  	s5 =	sadd.s32 $0x16800, s6;
	s9 =	sshrl.u32 s29, $0x1;
	s31 =	sshrl.u32 s30, $0x2  }
0xd: {  	s6 =	sadd.s32 $0x3DA00, s6;
	s11 =	ssub.s32 s29, s9;
	s7 =	sadd.s32 s31, s2  }
0xe: {  	s8 =	sadd.s32 s5, s10;
	s9 =	sadd.s32 s6, s10;
	s13 =	sadd.s32 $0xCA00, s13  }
0xf: {  	s10 =	smax.u32 s11, $0x1;
	s11 =	sadd.s32 $0xA01A00, s12;
	s12 =	sadd.s32 $0xEE3A00, s12  }
.LBB2_6:
0x10: {  	s0 =	sadd.s32 $0x27000, s20  }
0x11: {  	[hbm:s0], [sflag:s19] =	dma.local [spmem:s17], $0x100  }
0x12: {  	_ =	swait.ge [sflag:s16], $0x100  }
0x13: {  	[sflag:s16] =	ssyncset.done $0x0  }
0x14: {  	[sflag:s16] =	ssyncadd.s32 $0xFFFFFF00  }
.LBB2_7:
0x15: {  	s18 =	sadd.s32 $0x1, s18  }
0x16: {  	p5 =	sne.s32 s18, s10  }
.Ltmp1:
0x17: {  	_ = 	snop;
	(pc) =	sbr.rel @!p5 .LBB2_8-.Ltmp1, $1  }
0x18: {  	_ =	sdelay $0x3  }
.LBB2_1:
0x19: {  	s19 =	simm.s32 @!p1 $0x1C01  }
0x1a: {  	[spmem:s14], [sflag:s19] =	dma.local @!p1 [hbm:s1], $0x27100  }
0x1b: {  	s19 =	simm.s32 @!p1 $0x1  }
0x1c: {  	_ =	swait.ge @!p1 [sflag:s19], $0x27100  }
0x1d: {  	[sflag:s19] =	ssyncset.done @!p1 $0x0  }
0x1e: {  	[sflag:s19] =	ssyncadd.s32 @!p1 $0xFFFD8F00  }
0x1f: {  	[bflag:$0x0] =	sbarrier.arrive $0xFFFF  }
0x20: {  	[tilespmem:s3], [sflag:$0x2] =	stream.linear.gather [hbm4b:s13+s3], $0xC8, $0x38;
	[tilespmem:$0x19D80] =	vst v63  }
0x21: {  	_ =	swait.ge [sflag:s15], $0xC8  }
0x22: {  	s20 =	simm.s32 @p2 $0x2;
	s22 =	sadd.s32 @p2 $0x0, s12;
	[sflag:s15] =	ssyncset.done $0x0  }
0x23: {  	s21 =	simm.s32 @p2 $0x0;
	s19 =	simm.s32 @p2 $0x100;
	[sflag:s15] =	ssyncadd.s32 $0xFFFFFF38  }
0x24: {  	[tilespmem:s19], [sflag:$0x2] =	stream.linear.gather @p2 [hbm4b:s22+s21], $0x6400, $0x38;
	[tilespmem:$0x19D80] =	vst v63  }
0x25: {  	_ =	swait.ge @p2 [sflag:s20], $0x6400  }
0x26: {  	[sflag:s20] =	ssyncset.done @p2 $0x0  }
0x27: {  	s23 =	simm.s32 @p2 $0x1;
	s22 =	simm.s32 @p2 $0xC8;
	[sflag:s20] =	ssyncadd.s32 @p2 $0xFFFF9C00  }
0x28: {  	[spmem:s2] =	stream.indirect.scatter.add.f32 @p2 [tilespmem:s19], [sflag:$0x1], $0x80, s21, s22, $0xb8;
	[tilespmem:$0x19D80] =	vst v63  }
0x29: {  	_ =	swait.ge @p2 [sflag:s23], $0x6400  }
0x2a: {  	s25 =	simm.s32 @!p2 $0x100;
	s24 =	simm.s32 @!p2 $0x2;
	[sflag:s23] =	ssyncset.done @p2 $0x0  }
0x2b: {  	s28 =	sadd.s32 @!p2 $0x0, s11;
	s26 =	simm.s32 @!p2 $0x0;
	[sflag:s23] =	ssyncadd.s32 @p2 $0xFFFF9C00  }
0x2c: {  	[tilespmem:s25], [sflag:$0x2] =	stream.linear.gather @!p2 [hbm4b:s28+s26], $0x6400, $0x38;
	[tilespmem:$0x19D80] =	vst v63  }
0x2d: {  	_ =	swait.ge @!p2 [sflag:s24], $0x6400  }
0x2e: {  	[sflag:s24] =	ssyncset.done @!p2 $0x0  }
0x2f: {  	s28 =	simm.s32 @!p2 $0xC8;
	[sflag:s24] =	ssyncadd.s32 @!p2 $0xFFFF9C00  }
0x30: {  	[spmem:s2] =	stream.indirect.scatter.add.f32 @!p2 [tilespmem:s25], [sflag:$0x2], $0x80, s26, s28, $0xb8;
	[tilespmem:$0x19D80] =	vst v63  }
0x31: {  	_ =	swait.ge @!p2 [sflag:s24], $0x6400  }
0x32: {  	s29 =	simm.s32 $0xC80;
	s30 =	smov.u32 s13;
	[sflag:s24] =	ssyncset.done @!p2 $0x0  }
.LBB2_2:
0x33: {  	[sflag:s24] =	ssyncadd.s32 @!p2 $0xFFFF9C00  }
0x34: {  	s30 =	sadd.s32 $0x19, s30;
	s31 =	smov.u32 s29;
	s29 =	sadd.s32 $0xC80, s29  }
0x35: {  	[tilespmem:s3], [sflag:$0x2] =	stream.linear.gather [hbm4b:s30+s3], $0xC8, $0x38;
	[tilespmem:$0x19D80] =	vst v63  }
0x36: {  	p5 =	sne.s32 s29, $0x4E200;
	_ =	swait.ge [sflag:s15], $0xC8  }
0x37: {  	[sflag:s15] =	ssyncset.done $0x0  }
0x38: {  	s0 =	sadd.s32 @p2 s31, s12;
	[sflag:s15] =	ssyncadd.s32 $0xFFFFFF38  }
0x39: {  	[tilespmem:s19], [sflag:$0x2] =	stream.linear.gather @p2 [hbm4b:s0+s21], $0x6400, $0x38;
	[tilespmem:$0x19D80] =	vst v63  }
0x3a: {  	_ =	swait.ge @p2 [sflag:s20], $0x6400  }
0x3b: {  	[sflag:s20] =	ssyncset.done @p2 $0x0  }
0x3c: {  	[sflag:s20] =	ssyncadd.s32 @p2 $0xFFFF9C00  }
0x3d: {  	[spmem:s2] =	stream.indirect.scatter.add.f32 @p2 [tilespmem:s19], [sflag:$0x1], $0x80, s21, s22, $0xb8;
	[tilespmem:$0x19D80] =	vst v63  }
0x3e: {  	_ =	swait.ge @p2 [sflag:s23], $0x6400  }
0x3f: {  	[sflag:s23] =	ssyncset.done @p2 $0x0  }
0x40: {  	s0 =	sadd.s32 @!p2 s31, s11;
	[sflag:s23] =	ssyncadd.s32 @p2 $0xFFFF9C00  }
0x41: {  	[tilespmem:s25], [sflag:$0x2] =	stream.linear.gather @!p2 [hbm4b:s0+s26], $0x6400, $0x38;
	[tilespmem:$0x19D80] =	vst v63  }
0x42: {  	_ =	swait.ge @!p2 [sflag:s24], $0x6400  }
.Ltmp2:
0x43: {  	[sflag:s24] =	ssyncset.done @!p2 $0x0;
	(pc) =	sbr.rel @p5 .LBB2_2-.Ltmp2, $4  }
0x44: {  	[sflag:s24] =	ssyncadd.s32 @!p2 $0xFFFF9C00  }
0x45: {  	[spmem:s2] =	stream.indirect.scatter.add.f32 @!p2 [tilespmem:s25], [sflag:$0x2], $0x80, s26, s28, $0xb8;
	[tilespmem:$0x19D80] =	vst v63  }
0x46: {  	_ =	swait.ge @!p2 [sflag:s24], $0x6400  }
0x47: {  	[sflag:s24] =	ssyncset.done @!p2 $0x0  }
.Ltmp3:
0x48: {  	(pc) =	sbr.rel @!p0 .LBB2_4-.Ltmp3, $4  }
0x49: {  	_ = 	snop  }
0x4a: {  	[sflag:s24] =	ssyncadd.s32 @!p2 $0xFFFF9C00  }
0x4b: {  	s21 =	sshll.u32 s4, $0x6;
	[bflag:$0x0] =	sbarrier.arrive $0xFFFF  }
0x4c: {  	s20 =	sshrl.u32 s7, $0x3;
	s19 =	sor.u32 $0x1C01, s21  }
0x4d: {  	s19 =	sor.u32 $0x1C01, s21  }
0x4e: {  	[hbm:s9], [sflag:s19] =	dma.local [spmem:s20], $0x2700  }
.Ltmp4:
0x4f: {  	_ = 	snop;
	(pc) =	sbr.rel @p3 .LBB2_7-.Ltmp4, $4  }
.Ltmp5:
0x50: {  	_ = 	snop;
	(pc) =	sbr.rel @!p3 .LBB2_6-.Ltmp5, $4  }
0x51: {  	_ =	swait.ge [sflag:s16], $0x2700  }
0x52: {  	[sflag:s16] =	ssyncset.done $0x0  }
0x53: {  	s20 =	smov.u32 s6;
	[sflag:s16] =	ssyncadd.s32 $0xFFFFD900  }
0x54: {  	_ = 	snop  }
.LBB2_4:
0x55: {  	[hbm:s8], [sflag:s19] =	dma.local [spmem:s20], $0x2700  }
.Ltmp6:
0x56: {  	_ = 	snop;
	(pc) =	sbr.rel @p4 .LBB2_6-.Ltmp6, $4  }
.Ltmp7:
0x57: {  	_ = 	snop;
	(pc) =	sbr.rel @!p4 .LBB2_7-.Ltmp7, $4  }
0x58: {  	_ =	swait.ge [sflag:s16], $0x2700  }
0x59: {  	[sflag:s16] =	ssyncset.done $0x0  }
0x5a: {  	s20 =	smov.u32 s5;
	[sflag:s16] =	ssyncadd.s32 $0xFFFFD900  }
0x5b: {  	_ = 	snop  }
.LBB2_8:
0x5c: {  	_ =	sfence.sel $0x180000  }
0x5d: {  	[bflag:$0x0] =	sbarrier.arrive $0xFFFF  }
0x5e: {  	_ =	strace $0x9000004A  }
0x5f: {  	[bflag:$0x2] =	sbarrier.arrive $0xFFFF  }
0x60: {  	s0 =	rddreg [dreg:$0x3]  }
0x61: {  	s0 =	sadd.s32 @!p1 $0x100000, s0  }
0x62: {  	[sflag:s0] =	ssyncadd.tile.s32 @!p1 $0x1;
	_ =	shalt  }
.Lfunc_end2:
_tile_overlayer_lowered:
.L_overlay_start_2:
0x63: {  	(tag) =	ssettag $0x2  }
0x64: {  	s0 =	rddreg [dreg:$0x0];
	s2 =	stileid.u32  }
0x65: {  	s1 =	rddreg [dreg:$0x1];
	p0 =	sne.s32 s2, $0x0  }
0x66: {  	s3 =	rddreg [dreg:$0x2];
	[bflag:$0x3] =	sbarrier.arrive $0xFFFF;
	s2 =	simm.s32 @!p0 $0x1C01  }
0x67: {  	[timem:s3], [sflag:s2] =	dma.local @!p0 [hbm:s0], s1  }
0x68: {  	s0 =	simm.s32 @!p0 $0x1  }
0x69: {  	_ =	swait.ge @!p0 [sflag:s0], s1  }
0x6a: {  	s1 =	ssub.s32 @!p0 $0x0, s1;
	[sflag:s0] =	ssyncset.done @!p0 $0x0  }
0x6b: {  	[sflag:s0] =	ssyncadd.s32 @!p0 s1  }
0x6c: {  	[bflag:$0x3] =	sbarrier.arrive $0xFFFF  }
0x6d: {  	_ =	shalt  }

// kernel: kernel.8.cloned.1.call-start
scs
__scs_entry_jumppad:
0x0: {  	(pc) =	sbr.rel $0x88, $3  }
0x1: {  	(tag) =	ssettag $0x0;
	lr =	simm.s32 $0x1  }
0x2: {  	[smem:$0x3F99] =	sst lr;
	_ =	strace $0xD0000000  }
0x3: {  	_ = 	snop  }
0x4: {  	_ = 	snop  }
0x5: {  	_ = 	snop  }
0x6: {  	_ = 	snop  }
0x7: {  	_ = 	snop  }
__scs_overlays_trampoline_lowered:
0x8: {  	[smem:$0x3FA8] =	sst s0  }
0x9: {  	[smem:$0x3FA9] =	sst s1  }
0xa: {  	[smem:$0x3FAA] =	sst s2  }
0xb: {  	[smem:$0x3FAB] =	sst s3  }
0xc: {  	[smem:$0x3FAC] =	sst s4  }
0xd: {  	[smem:$0x3FAD] =	sst s5  }
0xe: {  	[smem:$0x3FAE] =	sst s6  }
0xf: {  	[smem:$0x3FAF] =	sst s7  }
0x10: {  	[smem:$0x3FB0] =	sst s8  }
0x11: {  	[smem:$0x3FB1] =	sst s9;
	s0 =	simm.s32 @!p0 $0x0  }
0x12: {  	s1 =	sld [smem:$0x3F97];
	s0 =	simm.s32 @p0 $0x1  }
0x13: {  	[smem:$0x3FB2] =	sst s0;
	s0 =	simm.s32 @!p1 $0x0  }
0x14: {  	s2 =	sld [smem:$0x3F96];
	s0 =	simm.s32 @p1 $0x1  }
0x15: {  	[smem:$0x3FB3] =	sst s0;
	s0 =	simm.s32 @!p2 $0x0  }
0x16: {  	s3 =	sld [smem:$0x3FDB];
	s0 =	simm.s32 @p2 $0x1  }
0x17: {  	s4 =	simm.s32 $0x1BF5;
	[smem:$0x3FB5] =	sst s0  }
0x18: {  	s0 =	sld [smem:$0x3F98];
	_ =	swait.ge [sflag:s4], $0x0  }
0x19: {  	s7 =	sld [smem:$0x3F99]  }
0x1a: {  	s8 =	sadd.s32 $0xFFFFE003, lr  }
0x1b: {  	s9 =	sadd.s32 $0xFFFFFEF7, lr;
	s5 =	simm.s32 $0xFFFFFFFF;
	p2 =	slt.u32 s8, $0xFFFFF086  }
0x1c: {  	p1 =	slt.u32 s9, $0xF7A;
	s5 =	simm.s32 @!p2 $0x0  }
0x1d: {  	s5 =	simm.s32 @p1 $0x1;
	p0 =	seq.s32 s7, s2  }
0x1e: {  	s7 =	smul.u32 @!p0 $0xF7A, s2;
	p2 =	seq.s32 @!p0 s5, $0x0  }
0x1f: {  	s9 =	smul.u32 $0xF7A, s1;
	s8 =	simm.s32 @!p0 $0x1BF5;
	p2 =	por !p2, p0  }
0x20: {  	[sflag:s8] =	ssyncset.s32 @!p0 $0xFFFFF086;
	s6 =	sadd.s32 @!p0 s3, s7;
	s7 =	simm.s32 @!p0 $0x108  }
0x21: {  	s3 =	sadd.s32 s3, s9;
	s6 =	sadd.s32 @!p0 $0x88, s6;
	s7 =	simm.s32 @p2 $0x1082  }
0x22: {  	[simem:s7], [sflag:s8] =	dma.local @!p0 [hbm:s6], $0xF7A  }
0x23: {  	s9 =	sor.u32 $0xD0000000, s2;
	s6 =	simm.s32 $0x108;
	_ =	swait.ge @!p0 [sflag:s8], $0x0  }
0x24: {  	s3 =	sadd.s32 $0x88, s3;
	s6 =	simm.s32 @!p1 $0x1082;
	[sflag:s4] =	ssyncset.s32 $0xFFFFF086  }
0x25: {  	[simem:s6], [sflag:s4] =	dma.local [hbm:s3], $0xF7A  }
0x26: {  	[smem:$0x3F99] =	sst s1;
	(tag) =	ssettag s2;
	_ =	strace s9  }
0x27: {  	s1 =	sld [smem:$0x3FA9]  }
0x28: {  	s2 =	sld [smem:$0x3FAA]  }
0x29: {  	s4 =	sld [smem:$0x3FAC]  }
0x2a: {  	p0 =	seq.s32 s5, $0x0;
	s5 =	sld [smem:$0x3FAD]  }
0x2b: {  	s6 =	sld [smem:$0x3FAE]  }
0x2c: {  	s7 =	sld [smem:$0x3FAF]  }
0x2d: {  	s3 =	simm.s32 $0x108;
	s8 =	sld [smem:$0x3FB0]  }
0x2e: {  	s3 =	simm.s32 @!p0 $0x1082;
	s9 =	sld [smem:$0x3FB1]  }
0x2f: {  	lr =	sadd.s32 s0, s3;
	s0 =	sld [smem:$0x3FA8]  }
0x30: {  	s3 =	sld [smem:$0x3FAB]  }
0x31: {  	[smem:$0x3FB4] =	sst s10  }
0x32: {  	s10 =	sld [smem:$0x3FB2];
	_ =	sdelay $0x3  }
0x33: {  	p0 =	seq.s32 s10, $0x1;
	s10 =	sld [smem:$0x3FB4];
	_ =	sdelay $0x3  }
0x34: {  	[smem:$0x3FB4] =	sst s10  }
0x35: {  	s10 =	sld [smem:$0x3FB3];
	_ =	sdelay $0x3  }
0x36: {  	p1 =	seq.s32 s10, $0x1;
	s10 =	sld [smem:$0x3FB4];
	_ =	sdelay $0x3  }
0x37: {  	[smem:$0x3FB4] =	sst s10  }
0x38: {  	s10 =	sld [smem:$0x3FB5]  }
0x39: {  	_ = 	snop;
	(pc) =	sbr.ind lr, $3  }
0x3a: {  	_ = 	snop  }
0x3b: {  	_ = 	snop  }
0x3c: {  	p2 =	seq.s32 s10, $0x1;
	s10 =	sld [smem:$0x3FB4]  }
0x3d: {  	_ =	shalt  }
0x3e: {  	_ =	shalt  }
0x3f: {  	_ =	shalt  }
0x40: {  	_ =	shalt  }
0x41: {  	_ =	shalt  }
0x42: {  	_ =	shalt  }
0x43: {  	_ =	shalt  }
0x44: {  	_ =	shalt  }
0x45: {  	_ =	shalt  }
0x46: {  	_ =	shalt  }
0x47: {  	_ =	shalt  }
0x48: {  	_ =	shalt  }
0x49: {  	_ =	shalt  }
0x4a: {  	_ =	shalt  }
0x4b: {  	_ =	shalt  }
0x4c: {  	_ =	shalt  }
0x4d: {  	_ =	shalt  }
0x4e: {  	_ =	shalt  }
0x4f: {  	_ =	shalt  }
0x50: {  	_ =	shalt  }
0x51: {  	_ =	shalt  }
0x52: {  	_ =	shalt  }
0x53: {  	_ =	shalt  }
0x54: {  	_ =	shalt  }
0x55: {  	_ =	shalt  }
0x56: {  	_ =	shalt  }
0x57: {  	_ =	shalt  }
0x58: {  	_ =	shalt  }
0x59: {  	_ =	shalt  }
0x5a: {  	_ =	shalt  }
0x5b: {  	_ =	shalt  }
0x5c: {  	_ =	shalt  }
0x5d: {  	_ =	shalt  }
0x5e: {  	_ =	shalt  }
0x5f: {  	_ =	shalt  }
0x60: {  	_ =	shalt  }
0x61: {  	_ =	shalt  }
0x62: {  	_ =	shalt  }
0x63: {  	_ =	shalt  }
0x64: {  	_ =	shalt  }
0x65: {  	_ =	shalt  }
0x66: {  	_ =	shalt  }
0x67: {  	_ =	shalt  }
0x68: {  	_ =	shalt  }
0x69: {  	_ =	shalt  }
0x6a: {  	_ =	shalt  }
0x6b: {  	_ =	shalt  }
0x6c: {  	_ =	shalt  }
0x6d: {  	_ =	shalt  }
0x6e: {  	_ =	shalt  }
0x6f: {  	_ =	shalt  }
0x70: {  	_ =	shalt  }
0x71: {  	_ =	shalt  }
0x72: {  	_ =	shalt  }
0x73: {  	_ =	shalt  }
0x74: {  	_ =	shalt  }
0x75: {  	_ =	shalt  }
0x76: {  	_ =	shalt  }
0x77: {  	_ =	shalt  }
0x78: {  	_ =	shalt  }
0x79: {  	_ =	shalt  }
0x7a: {  	_ =	shalt  }
0x7b: {  	_ =	shalt  }
0x7c: {  	_ =	shalt  }
0x7d: {  	_ =	shalt  }
0x7e: {  	_ =	shalt  }
0x7f: {  	_ =	shalt  }
0x80: {  	_ =	shalt  }
0x81: {  	_ =	shalt  }
0x82: {  	_ =	shalt  }
0x83: {  	_ =	shalt  }
0x84: {  	_ =	shalt  }
0x85: {  	_ =	shalt  }
0x86: {  	_ =	shalt  }
0x87: {  	_ =	shalt  }
.Lfunc_end0:
.L_simem_size_0:
called_computation_lowered:
.L_overlay_start_0:
0x88: {  	s2 =	sld [smem:$0x3FD9]  }
0x89: {  	s3 =	sld [smem:$0x3FFE];
	_ =	sdelay $0x1  }
0x8a: {  	s1 =	srdreg.scid  }
0x8b: {  	s0 =	sand.u32 $0x1, s1  }
0x8c: {  	s17 =	sshll.u32 s0, $0xA;
	s2 =	sadd.s32 s3, s2  }
0x8d: {  	s2 =	sadd.s32 s2, s17  }
0x8e: {  	[smem:$0x3FC0] =	sst s2  }
0x8f: {  	_ = 	snop  }
0x90: {  	s2 =	sld [smem:$0x3FD0];
	(tm) =	ssettm $0x1  }
0x91: {  	s18 =	sld [smem:$0x3FFB];
	_ =	sdelay $0x3  }
0x92: {  	_ =	strace s18  }
0x93: {  	s3 =	sld [smem:$0x3FFC];
	_ =	sdelay $0x3  }
0x94: {  	_ =	strace s3  }
0x95: {  	s3 =	sld [smem:$0x3FFD];
	_ =	sdelay $0x3  }
0x96: {  	_ =	strace s3  }
0x97: {  	_ =	strace $0x8FFFFFFF  }
0x98: {  	s19 =	sld [smem:$0x3FDB];
	_ =	sdelay $0x1  }
0x99: {  	s4 =	simm.s32 $_scs_section_size  }
0x9a: {  	s5 =	simm.s32 $_size__tile_overlayer_lowered;
	s6 =	simm.s32 $_tile_overlayer_lowered  }
0x9b: {  	s22 =	simm.s32 $0x1BFF;
	s21 =	sshll.u32 s6, $0x1;
	s3 =	sadd.s32 s4, s19  }
0x9c: {  	s7 =	simm.s32 $0x0;
	s20 =	sshll.u32 s5, $0x1;
	s5 =	sadd.s32 s21, s3  }
0x9d: {  	[timem:s7], [sflag:s22] =	dma.local [hbm:s5], s20  }
0x9e: {  	_ =	swait.ge [sflag:s22], s20  }
0x9f: {  	s4 =	ssub.s32 $0x0, s20;
	[sflag:s22] =	ssyncset.done $0x0  }
0xa0: {  	[sflag:s22] =	ssyncadd.s32 s4;
	_ =	sdelay $0x1  }
0xa1: {  	s23 =	simm.s32 $0x1B8B  }
0xa2: {  	_ =	swait.ge [sflag:s23], $0x1  }
0xa3: {  	[sflag:s23] =	ssyncset.done $0x0  }
0xa4: {  	s25 =	simm.s32 $0x1B8E;
	s24 =	sld [smem:$0x3FFE];
	[sflag:s23] =	ssyncadd.s32 $0xFFFFFFFF  }
0xa5: {  	s26 =	simm.s32 $execute0_lowered;
	[smem:$0x3FD2] =	sst s25  }
0xa6: {  	s5 =	sshll.u32 s26, $0x1;
	_ =	strace $0x80000046;
	[dreg:$0x1] =	wrdreg $0xFFFFFFFF  }
0xa7: {  	s28 =	simm.s32 $_size_execute0_lowered;
	s3 =	sadd.s32 s3, s5;
	[dreg:$0x0] =	wrdreg $0x0  }
0xa8: {  	s5 =	sshll.u32 s28, $0x1;
	[dreg:$0x2] =	wrdreg s3  }
0xa9: {  	[dreg:$0x3] =	wrdreg s5  }
0xaa: {  	[dreg:$0x4] =	wrdreg $0xC0  }
0xab: {  	_ =	task [dreg:s7], $0x5FFFF  }
0xac: {  	[dreg:$0x1] =	wrdreg $0xFFFFFFFF  }
0xad: {  	[dreg:$0x0] =	wrdreg $0x60  }
0xae: {  	[dreg:$0x2] =	wrdreg s2  }
0xaf: {  	[dreg:$0x3] =	wrdreg s24  }
0xb0: {  	[dreg:$0x4] =	wrdreg $0x9  }
0xb1: {  	_ =	task.clear_ibuf [dreg:s7], $0x5FFFF;
	_ =	strace $0x90000046  }
0xb2: {  	s29 =	simm.s32 $0x9;
	_ =	strace $0x80000048  }
0xb3: {  	_ =	swait.ge [sflag:s29], $0x1  }
0xb4: {  	[sflag:s29] =	ssyncadd.s32 $0xFFFFFFFF  }
0xb5: {  	_ =	strace $0x90000048  }
0xb6: {  	_ =	sfence  }
0xb7: {  	s30 =	sld [smem:$0x0];
	_ =	sdelay $0x2  }
0xb8: {  	s31 =	sshll.u32 s1, $0xD;
	s1 =	sshrl.u32 s1, $0x2  }
0xb9: {  	s3 =	sand.u32 $0x4000, s31;
	s1 =	sadd.s32 s1, s30  }
0xba: {  	s0 =	sor.u32 s3, s0;
	s1 =	sshll.u32 s1, $0x11  }
0xbb: {  	s0 =	sor.u32 s1, s0  }
0xbc: {  	s0 =	sadd.s32 $0x8F2B, s0  }
0xbd: {  	[sflag:s0] =	ssyncadd.remote.s32 $0x1  }
0xbe: {  	_ =	sfence.sel $0xFFFF  }
0xbf: {  	[dreg:$0x0] =	wrdreg $0xFFFFFFFF;
	(pc) =	sbr.abs _section_cstart, $3  }
0xc0: {  	[dreg:$0x1] =	wrdreg $0xFFFFFFFF  }
0xc1: {  	_ =	task.clear_ibuf [dreg:s7], $0x2FFFF;
	_ =	strace $0x9FFFFFFF  }
0xc2: {  	(tm) =	ssettm $0x7FFFFFFF  }
0xc3: {  	_ =	shalt  }
tec
execute0_lowered:
.L_overlay_start_1:
0x0: {  	(tag) =	ssettag $0x1  }
0x1: {  	s2 =	rddreg [dreg:$0x0];
	s1 =	srdreg.scid  }
0x2: {  	s0 =	stileid.u32;
	s5 =	rddreg [dreg:$0x1];
	s3 =	simm.s32 $0x0  }
0x3: {  	s11 =	simm.s32 $0x2780;
	s12 =	simm.s32 $0xC8;
	s13 =	simm.s32 $0x4F00  }
0x4: {  	s14 =	simm.s32 $0xB300;
	s15 =	simm.s32 $0x1;
	s16 =	simm.s32 $0x2  }
0x5: {  	s17 =	simm.s32 $0x0;
	s6 =	sand.u32 $0x1, s1;
	s4 =	sshll.u32 s0, $0x1  }
0x6: {  	[smem:$0x7FF] =	sst s3;
	s8 =	smul.u32 $0x4E200, s0;
	s4 =	sor.u32 s6, s4  }
0x7: {  	s1 =	rddreg [dreg:$0x2];
	_ =	strace $0x80000047;
	s7 =	smul.u32 $0x2710, s4  }
0x8: {  	s9 =	ssub.s32 $0x2, s6;
	s6 =	smul.u32 $0x27100, s6;
	s4 =	sadd.s32 $0x16800, s5  }
0x9: {  	s8 =	sadd.s32 s8, s5;
	s31 =	sshrl.u32 s9, $0x1;
	s7 =	sshrl.u32 s7, $0x3  }
0xa: {  	s9 =	ssub.s32 s9, s31;
	s10 =	sadd.s32 s6, s8;
	s7 =	sadd.s32 s7, s5  }
0xb: {  	s8 =	sadd.s32 $0x3DA00, s10;
	s5 =	sadd.s32 $0xCA00, s7;
	s6 =	sadd.s32 $0x2C00, s7  }
0xc: {  	s7 =	smax.u32 s9, $0x1;
	s9 =	sadd.s32 $0x51FA00, s10;
	s10 =	simm.s32 $0x3  }
.LBB2_1:
0xd: {  	[tilespmem:s3], [sflag:$0x3] =	stream.linear.gather [hbm4b:s5+s3], $0x2710, $0x38;
	[tilespmem:$0x11700] =	vst v63  }
0xe: {  	_ =	swait.ge [sflag:s10], $0x2710  }
0xf: {  	[sflag:s10] =	ssyncset.done $0x0  }
0x10: {  	[sflag:s10] =	ssyncadd.s32 $0xFFFFD8F0  }
0x11: {  	[tilespmem:s11], [sflag:$0x3] =	stream.linear.gather [hbm4b:s6+s3], $0x2710, $0x38;
	[tilespmem:$0x11700] =	vst v63  }
0x12: {  	_ =	swait.ge [sflag:s10], $0x2710  }
0x13: {  	[sflag:s10] =	ssyncset.done $0x0  }
0x14: {  	s18 =	simm.s32 $0x0;
	[sflag:s10] =	ssyncadd.s32 $0xFFFFD8F0  }
0x15: {  	[tilespmem:s13], [sflag:$0x1] =	stream.indirect.gather [hbm4b:s2+s12], $0x80, s18, s12, $0xb8;
	[tilespmem:$0x11700] =	vst v63  }
0x16: {  	s31 =	simm.s32 $0x2780  }
0x17: {  	[tilespmem:s14], [sflag:$0x2] =	stream.indirect.gather [hbm4b:s4+s12], $0x80, s31, s12, $0xb8;
	[tilespmem:$0x11700] =	vst v63  }
0x18: {  	_ =	swait.ge [sflag:s15], $0x6400  }
0x19: {  	[sflag:s15] =	ssyncset.done $0x0  }
0x1a: {  	[sflag:s15] =	ssyncadd.s32 $0xFFFF9C00  }
0x1b: {  	_ =	swait.ge [sflag:s16], $0x6400  }
0x1c: {  	[sflag:s16] =	ssyncset.done $0x0  }
0x1d: {  	[sflag:s16] =	ssyncadd.s32 $0xFFFF9C00  }
0x1e: {  	[hbm4b:s8+s3] =	stream.linear.scatter [tilespmem:s13], [sflag:$0x3], $0x6400, $0x38;
	[tilespmem:$0x11700] =	vst v63  }
0x1f: {  	_ =	swait.ge [sflag:s10], $0x6400  }
0x20: {  	[sflag:s10] =	ssyncset.done $0x0  }
0x21: {  	[sflag:s10] =	ssyncadd.s32 $0xFFFF9C00  }
0x22: {  	[hbm4b:s9+s3] =	stream.linear.scatter [tilespmem:s14], [sflag:$0x3], $0x6400, $0x38;
	[tilespmem:$0x11700] =	vst v63  }
0x23: {  	s20 =	simm.s32 $0x320;
	s21 =	simm.s32 $0x640;
	_ =	swait.ge [sflag:s10], $0x6400  }
0x24: {  	s19 =	sadd.s32 $0xC80, s8;
	s18 =	sadd.s32 $0xC80, s9;
	[sflag:s10] =	ssyncset.done $0x0  }
.LBB2_2:
0x25: {  	s22 =	sshra.s32 s20, $0x2  }
0x26: {  	[sflag:s10] =	ssyncadd.s32 $0xFFFF9C00;
	s20 =	smov.u32 s21;
	s23 =	sadd.s32 $0x320, s21  }
0x27: {  	[tilespmem:s13], [sflag:$0x1] =	stream.indirect.gather [hbm4b:s2+s12], $0x80, s22, s12, $0xb8;
	[tilespmem:$0x11700] =	vst v63  }
0x28: {  	p0 =	sne.s32 s21, $0x9920;
	s21 =	sadd.s32 $0x2780, s22  }
0x29: {  	[tilespmem:s14], [sflag:$0x2] =	stream.indirect.gather [hbm4b:s4+s12], $0x80, s21, s12, $0xb8;
	[tilespmem:$0x11700] =	vst v63  }
0x2a: {  	_ =	swait.ge [sflag:s15], $0x6400  }
0x2b: {  	[sflag:s15] =	ssyncset.done $0x0  }
0x2c: {  	[sflag:s15] =	ssyncadd.s32 $0xFFFF9C00  }
0x2d: {  	_ =	swait.ge [sflag:s16], $0x6400  }
0x2e: {  	[sflag:s16] =	ssyncset.done $0x0  }
0x2f: {  	[sflag:s16] =	ssyncadd.s32 $0xFFFF9C00  }
0x30: {  	[hbm4b:s19+s3] =	stream.linear.scatter [tilespmem:s13], [sflag:$0x3], $0x6400, $0x38;
	[tilespmem:$0x11700] =	vst v63  }
0x31: {  	_ =	swait.ge [sflag:s10], $0x6400  }
.Ltmp0:
0x32: {  	[sflag:s10] =	ssyncset.done $0x0;
	(pc) =	sbr.rel @p0 .LBB2_2-.Ltmp0, $4  }
0x33: {  	[sflag:s10] =	ssyncadd.s32 $0xFFFF9C00  }
0x34: {  	[hbm4b:s18+s3] =	stream.linear.scatter [tilespmem:s14], [sflag:$0x3], $0x6400, $0x38;
	[tilespmem:$0x11700] =	vst v63  }
0x35: {  	s21 =	smov.u32 s23;
	_ =	swait.ge [sflag:s10], $0x6400  }
0x36: {  	s19 =	sadd.s32 $0xC80, s19;
	s18 =	sadd.s32 $0xC80, s18;
	[sflag:s10] =	ssyncset.done $0x0  }
0x37: {  	s20 =	sshra.s32 s20, $0x2;
	[sflag:s10] =	ssyncadd.s32 $0xFFFF9C00  }
0x38: {  	[tilespmem:s13], [sflag:$0x1] =	stream.indirect.gather [hbm4b:s2+s12], $0x80, s20, s12, $0xb8;
	[tilespmem:$0x11700] =	vst v63  }
0x39: {  	s20 =	sadd.s32 $0x2780, s20  }
0x3a: {  	[tilespmem:s14], [sflag:$0x2] =	stream.indirect.gather [hbm4b:s4+s12], $0x80, s20, s12, $0xb8;
	[tilespmem:$0x11700] =	vst v63  }
0x3b: {  	_ =	swait.ge [sflag:s15], $0x6400  }
0x3c: {  	[sflag:s15] =	ssyncset.done $0x0  }
0x3d: {  	[sflag:s15] =	ssyncadd.s32 $0xFFFF9C00  }
0x3e: {  	_ =	swait.ge [sflag:s16], $0x6400  }
0x3f: {  	[sflag:s16] =	ssyncset.done $0x0  }
0x40: {  	[sflag:s16] =	ssyncadd.s32 $0xFFFF9C00  }
0x41: {  	[hbm4b:s19+s3] =	stream.linear.scatter [tilespmem:s13], [sflag:$0x3], $0x6400, $0x38;
	[tilespmem:$0x11700] =	vst v63  }
0x42: {  	s17 =	sadd.s32 $0x1, s17;
	_ =	swait.ge [sflag:s10], $0x6400  }
0x43: {  	p0 =	sne.s32 s17, s7;
	[sflag:s10] =	ssyncset.done $0x0  }
.Ltmp1:
0x44: {  	[sflag:s10] =	ssyncadd.s32 $0xFFFF9C00;
	(pc) =	sbr.rel @p0 .LBB2_1-.Ltmp1, $4  }
0x45: {  	[hbm4b:s18+s3] =	stream.linear.scatter [tilespmem:s14], [sflag:$0x3], $0x6400, $0x38;
	[tilespmem:$0x11700] =	vst v63  }
0x46: {  	_ =	swait.ge [sflag:s10], $0x6400  }
0x47: {  	[sflag:s10] =	ssyncset.done $0x0  }
0x48: {  	[sflag:s10] =	ssyncadd.s32 $0xFFFF9C00  }
0x49: {  	_ =	sfence.sel $0x180000  }
0x4a: {  	[bflag:$0x0] =	sbarrier.arrive $0xFFFF  }
0x4b: {  	p0 =	sne.s32 s0, $0x0;
	_ =	strace $0x90000047  }
0x4c: {  	s0 =	sadd.s32 @!p0 $0x100000, s1;
	[bflag:$0x2] =	sbarrier.arrive $0xFFFF  }
0x4d: {  	[sflag:s0] =	ssyncadd.tile.s32 @!p0 $0x1;
	_ =	shalt  }
.Lfunc_end2:
_tile_overlayer_lowered:
.L_overlay_start_2:
0x4e: {  	(tag) =	ssettag $0x2  }
0x4f: {  	s0 =	rddreg [dreg:$0x0];
	s2 =	stileid.u32  }
0x50: {  	s1 =	rddreg [dreg:$0x1];
	p0 =	sne.s32 s2, $0x0  }
0x51: {  	s3 =	rddreg [dreg:$0x2];
	[bflag:$0x3] =	sbarrier.arrive $0xFFFF;
	s2 =	simm.s32 @!p0 $0x1C03  }
0x52: {  	[timem:s3], [sflag:s2] =	dma.local @!p0 [hbm:s0], s1  }
0x53: {  	s0 =	simm.s32 @!p0 $0x3  }
0x54: {  	_ =	swait.ge @!p0 [sflag:s0], s1  }
0x55: {  	s1 =	ssub.s32 @!p0 $0x0, s1;
	[sflag:s0] =	ssyncset.done @!p0 $0x0  }
0x56: {  	[sflag:s0] =	ssyncadd.s32 @!p0 s1  }
0x57: {  	[bflag:$0x3] =	sbarrier.arrive $0xFFFF  }
0x58: {  	_ =	shalt  }

</sc_bundles>
